<compile_context>
chip_gen: v7x
topology: tpu7x:2x2x1
jax: 0.10.2.dev20260603
libtpu: 0.0.44.dev20260713+nightly
codegen_flags: <defaults>
</compile_context>

<pallas_src>
import functools

import jax
import jax.numpy as jnp
from jax import lax
from jax.experimental import pallas as pl
from jax.experimental.pallas import tpu as pltpu
from jax.experimental.pallas import tpu_sc as plsc

B = 4096
L = 200
EMB = 32

NC = 2
NS = 16
NW = NC * NS

BB = B // NW
K = 4
NBATCH = L // K
NPAIR = NBATCH // 2


def _sc_embedding_lookup(idx_lb, table):
    mesh = plsc.VectorSubcoreMesh(
        core_axis_name="c", subcore_axis_name="s",
        num_cores=NC, num_subcores=NS)

    @functools.partial(
        pl.kernel,
        mesh=mesh,
        out_type=jax.ShapeDtypeStruct((L, B, EMB), jnp.float32),
        scratch_types=[
            pltpu.VMEM((L, BB), jnp.int32),
            pltpu.VMEM((2, K, BB, EMB), jnp.float32),
            pltpu.SemaphoreType.DMA,
            pltpu.SemaphoreType.DMA,
        ],
        compiler_params=pltpu.CompilerParams(use_tc_tiling_on_sc=False),
    )
    def k(idx_hbm, table_hbm, out_hbm, idx_v, rows_v, gsem, wsem):
        wid = lax.axis_index("s") * NC + lax.axis_index("c")
        b0 = wid * BB
        pltpu.sync_copy(idx_hbm.at[:, pl.ds(b0, BB)], idx_v)

        def fire(t, p):
            return [
                pltpu.async_copy(
                    table_hbm.at[idx_v.at[K * t + j]],
                    rows_v.at[p].at[j],
                    gsem)
                for j in range(K)
            ]

        def writeback(t, p):
            pltpu.async_copy(
                rows_v.at[p],
                out_hbm.at[pl.ds(K * t, K), pl.ds(b0, BB)],
                wsem)

        def wait_writeback(p):
            pltpu.make_async_copy(
                rows_v.at[p],
                out_hbm.at[pl.ds(0, K), pl.ds(b0, BB)],
                wsem).wait()

        def body(t, carry):
            a = 2 * t

            @pl.when(t > 0)
            def _():
                wait_writeback(0)

            ga = fire(a, 0)

            @pl.when(t > 0)
            def _():
                wait_writeback(1)

            gb = fire(a + 1, 1)
            for cp in ga:
                cp.wait()
            writeback(a, 0)
            for cp in gb:
                cp.wait()
            writeback(a + 1, 1)
            return carry

        lax.fori_loop(0, NPAIR, body, 0)
        wait_writeback(0)
        wait_writeback(1)

    return k(idx_lb, table)


def kernel(inputs, table):
    idx_lb = jnp.swapaxes(inputs, 0, 1).astype(jnp.int32)
    out = _sc_embedding_lookup(idx_lb, table)
    return jnp.transpose(out, (1, 0, 2))

# --- scband reference (transcript-rebuilt; emitter-appended) ---
"""Pipeline reference for scband-feat-embedding-46042049413547 (READ-ONLY COPY).

The authoritative reference and input builder live on the scoring server;
editing this copy changes nothing except your own understanding.
"""

import jax, jax.numpy as jnp
import numpy as np

VOCAB = 1000000
EMB = 32
B = 4096
L = 200

def setup_inputs(seed: int = 0) -> dict:
    key = jax.random.key(seed)
    k1, k2 = jax.random.split(key)
    inputs = jax.random.randint(k1, (B, L), 0, VOCAB, dtype=jnp.int64 if jax.config.jax_enable_x64 else jnp.int32)
    # nn.Embedding init: N(0,1), with padding_idx row zeroed
    table = jax.random.normal(k2, (VOCAB, EMB), dtype=jnp.float32)
    table = table.at[0].set(0.0)
    return {"inputs": inputs, "table": table}

def reference(inputs, table):
    # FeatEmbedding.forward: embedding lookup (dropout=0.0 -> identity)
    return jnp.take(table, inputs, axis=0)

if __name__ == "__main__":
    import jax
    _d = setup_inputs()
    print(jax.jit(kernel)(*tuple(_d.values())))

</pallas_src>

<mosaic_0001>
#map = affine_map<(d0, d1) -> (0, 0)>
#map1 = affine_map<(d0, d1) -> (0, 0, 0)>
module attributes {stable_mosaic.version = 14 : i64} {
  func.func @k(%arg0: i32, %arg1: i32, %arg2: memref<200x4096xi32, #tpu.memory_space<hbm>>, %arg3: memref<1000000x32xf32, #tpu.memory_space<hbm>>, %arg4: memref<200x4096x32xf32, #tpu.memory_space<hbm>>, %arg5: memref<200x128xi32, #tpu.memory_space<vmem>>, %arg6: memref<2x4x128x32xf32, #tpu.memory_space<vmem>>, %arg7: memref<!tpu.dma_semaphore, #tpu.memory_space<semaphore_mem>>, %arg8: memref<!tpu.dma_semaphore, #tpu.memory_space<semaphore_mem>>) attributes {dimension_semantics = [#tpu.dimension_semantics<core_parallel>, #tpu.dimension_semantics<subcore_parallel>], iteration_bounds = array<i64: 2, 16>, scalar_prefetch = 0 : i64, scratch_operands = 4 : i64, tpu.core_type = #tpu.core_type<sc_vector_subcore>, window_params = [{transform_indices = #map}, {transform_indices = #map}, {transform_indices = #map1}]} {
    %mul3A = arith.constant 2 : i32
    %mul3A_0 = arith.muli %arg1, %mul3A : i32
    %add3A = arith.addi %mul3A_0, %arg0 : i32
    %mul3A_1 = arith.constant 128 : i32
    %mul3A_2 = arith.muli %add3A, %mul3A_1 : i32
    "tpu.region"() ({
      %run_scoped3A = tpu.sem_alloc : memref<!tpu.dma_semaphore, #tpu.memory_space<semaphore_mem>>
      %dma_start3A = arith.constant 0 : i32
      %dma_start3A_41 = tpu.memref_slice %arg2[%dma_start3A, %mul3A_2] : memref<200x4096xi32, #tpu.memory_space<hbm>> -> memref<200x128xi32, #tpu.memory_space<hbm>>
      %dma_start3A_42 = arith.constant 0 : i32
      %dma_start3A_43 = tpu.memref_slice %arg2[%dma_start3A_42, %mul3A_2] : memref<200x4096xi32, #tpu.memory_space<hbm>> -> memref<200x128xi32, #tpu.memory_space<hbm>>
      tpu.enqueue_dma source(%dma_start3A_43 : memref<200x128xi32, #tpu.memory_space<hbm>>) target(%arg5 : memref<200x128xi32, #tpu.memory_space<vmem>>) target_semaphore(%run_scoped3A : memref<!tpu.dma_semaphore, #tpu.memory_space<semaphore_mem>>)
      %dma_wait3A_44 = arith.constant 0 : i32
      %dma_wait3A_45 = tpu.memref_slice %arg2[%dma_wait3A_44, %mul3A_2] : memref<200x4096xi32, #tpu.memory_space<hbm>> -> memref<200x128xi32, #tpu.memory_space<hbm>>
      %dma_wait3A_46 = arith.constant 0 : i32
      %dma_wait3A_47 = tpu.memref_slice %arg2[%dma_wait3A_46, %mul3A_2] : memref<200x4096xi32, #tpu.memory_space<hbm>> -> memref<200x128xi32, #tpu.memory_space<hbm>>
      tpu.wait_dma2 semaphore(%run_scoped3A : memref<!tpu.dma_semaphore, #tpu.memory_space<semaphore_mem>>) src(%dma_wait3A_47 : memref<200x128xi32, #tpu.memory_space<hbm>>) dst(%arg5 : memref<200x128xi32, #tpu.memory_space<vmem>>)
      tpu.yield
    }) : () -> ()
    %scan3A = arith.constant 0 : i32
    %scan3A_3 = arith.constant 0 : i32
    %scan3A_4 = arith.constant 25 : i32
    %scan3A_5 = arith.addi %scan3A_3, %scan3A_4 : i32
    %scan3A_6 = arith.constant 1 : i32
    scf.for %scan3A_41 = %scan3A_3 to %scan3A_5 step %scan3A_6  : i32 {
      %mul3A_42 = arith.constant 2 : i32
      %mul3A_43 = arith.muli %mul3A_42, %scan3A_41 : i32
      %gt3A = arith.constant 0 : i32
      %gt3A_44 = arith.cmpi sgt, %scan3A_41, %gt3A : i32
      %convert_element_type3A = arith.extui %gt3A_44 : i1 to i32
      %cond3A = arith.constant 0 : i32
      %cond3A_45 = arith.cmpi ne, %convert_element_type3A, %cond3A : i32
      scf.if %cond3A_45 {
        %dma_wait3A_392 = arith.constant 0 : i32
        %dma_wait3A_393 = arith.constant 0 : i32
        %dma_wait3A_394 = arith.constant 0 : i32
        %dma_wait3A_395 = arith.constant 0 : i32
        %dma_wait3A_396 = tpu.memref_slice %arg6[%dma_wait3A_392, %dma_wait3A_393, %dma_wait3A_394, %dma_wait3A_395] : memref<2x4x128x32xf32, #tpu.memory_space<vmem>> -> memref<1x4x128x32xf32, #tpu.memory_space<vmem>>
        %dma_wait3A_397 = tpu.memref_squeeze %dma_wait3A_396 : memref<1x4x128x32xf32, #tpu.memory_space<vmem>> -> memref<4x128x32xf32, #tpu.memory_space<vmem>>
        %dma_wait3A_398 = arith.constant 0 : i32
        %dma_wait3A_399 = arith.constant 0 : i32
        %dma_wait3A_400 = tpu.memref_slice %arg4[%dma_wait3A_398, %mul3A_2, %dma_wait3A_399] : memref<200x4096x32xf32, #tpu.memory_space<hbm>> -> memref<4x128x32xf32, #tpu.memory_space<hbm>>
        %dma_wait3A_401 = arith.constant 0 : i32
        %dma_wait3A_402 = arith.constant 0 : i32
        %dma_wait3A_403 = tpu.memref_slice %arg4[%dma_wait3A_401, %mul3A_2, %dma_wait3A_402] : memref<200x4096x32xf32, #tpu.memory_space<hbm>> -> memref<4x128x32xf32, #tpu.memory_space<hbm>>
        %dma_wait3A_404 = arith.constant 0 : i32
        %dma_wait3A_405 = arith.constant 0 : i32
        %dma_wait3A_406 = arith.constant 0 : i32
        %dma_wait3A_407 = tpu.memref_slice %arg6[%dma_wait3A_392, %dma_wait3A_404, %dma_wait3A_405, %dma_wait3A_406] : memref<2x4x128x32xf32, #tpu.memory_space<vmem>> -> memref<1x4x128x32xf32, #tpu.memory_space<vmem>>
        %dma_wait3A_408 = tpu.memref_squeeze %dma_wait3A_407 : memref<1x4x128x32xf32, #tpu.memory_space<vmem>> -> memref<4x128x32xf32, #tpu.memory_space<vmem>>
        tpu.wait_dma2 semaphore(%arg8 : memref<!tpu.dma_semaphore, #tpu.memory_space<semaphore_mem>>) src(%dma_wait3A_408 : memref<4x128x32xf32, #tpu.memory_space<vmem>>) dst(%dma_wait3A_403 : memref<4x128x32xf32, #tpu.memory_space<hbm>>)
      } else {
      }
      %mul3A_46 = arith.constant 4 : i32
      %mul3A_47 = arith.muli %mul3A_46, %mul3A_43 : i32
      %add3A_48 = arith.constant 0 : i32
      %add3A_49 = arith.addi %mul3A_47, %add3A_48 : i32
      %dma_start3A = arith.constant 0 : i32
      %dma_start3A_50 = arith.constant 0 : i32
      %dma_start3A_51 = arith.constant 0 : i32
      %dma_start3A_52 = arith.constant 0 : i32
      %dma_start3A_53 = arith.constant 0 : i32
      %dma_start3A_54 = tpu.memref_slice %arg6[%dma_start3A, %dma_start3A_51, %dma_start3A_52, %dma_start3A_53] : memref<2x4x128x32xf32, #tpu.memory_space<vmem>> -> memref<1x4x128x32xf32, #tpu.memory_space<vmem>>
      %dma_start3A_55 = tpu.memref_squeeze %dma_start3A_54 : memref<1x4x128x32xf32, #tpu.memory_space<vmem>> -> memref<4x128x32xf32, #tpu.memory_space<vmem>>
      %dma_start3A_56 = arith.constant 0 : i32
      %dma_start3A_57 = arith.constant 0 : i32
      %dma_start3A_58 = tpu.memref_slice %dma_start3A_55[%dma_start3A_50, %dma_start3A_56, %dma_start3A_57] : memref<4x128x32xf32, #tpu.memory_space<vmem>> -> memref<1x128x32xf32, #tpu.memory_space<vmem>>
      %dma_start3A_59 = tpu.memref_squeeze %dma_start3A_58 : memref<1x128x32xf32, #tpu.memory_space<vmem>> -> memref<128x32xf32, #tpu.memory_space<vmem>>
      %dma_start3A_60 = arith.constant 0 : i32
      %dma_start3A_61 = tpu.memref_slice %arg5[%add3A_49, %dma_start3A_60] : memref<200x128xi32, #tpu.memory_space<vmem>> -> memref<1x128xi32, #tpu.memory_space<vmem>>
      %dma_start3A_62 = tpu.memref_squeeze %dma_start3A_61 : memref<1x128xi32, #tpu.memory_space<vmem>> -> memref<128xi32, #tpu.memory_space<vmem>>
      %dma_start3A_63 = arith.constant 0 : i32
      %dma_start3A_64 = arith.constant 0 : i32
      %dma_start3A_65 = tpu.memref_slice %arg3[%dma_start3A_63, %dma_start3A_64] : memref<1000000x32xf32, #tpu.memory_space<hbm>> -> memref<1000000x32xf32, #tpu.memory_space<hbm>>
      tpu.enqueue_indirect_dma source(%dma_start3A_65 : memref<1000000x32xf32, #tpu.memory_space<hbm>>) target(%dma_start3A_59 : memref<128x32xf32, #tpu.memory_space<vmem>>) offsets(%dma_start3A_62 : memref<128xi32, #tpu.memory_space<vmem>>) semaphore(%arg7 : memref<!tpu.dma_semaphore, #tpu.memory_space<semaphore_mem>>)
      %mul3A_66 = arith.constant 4 : i32
      %mul3A_67 = arith.muli %mul3A_66, %mul3A_43 : i32
      %add3A_68 = arith.constant 1 : i32
      %add3A_69 = arith.addi %mul3A_67, %add3A_68 : i32
      %dma_start3A_70 = arith.constant 0 : i32
      %dma_start3A_71 = arith.constant 1 : i32
      %dma_start3A_72 = arith.constant 0 : i32
      %dma_start3A_73 = arith.constant 0 : i32
      %dma_start3A_74 = arith.constant 0 : i32
      %dma_start3A_75 = tpu.memref_slice %arg6[%dma_start3A_70, %dma_start3A_72, %dma_start3A_73, %dma_start3A_74] : memref<2x4x128x32xf32, #tpu.memory_space<vmem>> -> memref<1x4x128x32xf32, #tpu.memory_space<vmem>>
      %dma_start3A_76 = tpu.memref_squeeze %dma_start3A_75 : memref<1x4x128x32xf32, #tpu.memory_space<vmem>> -> memref<4x128x32xf32, #tpu.memory_space<vmem>>
      %dma_start3A_77 = arith.constant 0 : i32
      %dma_start3A_78 = arith.constant 0 : i32
      %dma_start3A_79 = tpu.memref_slice %dma_start3A_76[%dma_start3A_71, %dma_start3A_77, %dma_start3A_78] : memref<4x128x32xf32, #tpu.memory_space<vmem>> -> memref<1x128x32xf32, #tpu.memory_space<vmem>>
      %dma_start3A_80 = tpu.memref_squeeze %dma_start3A_79 : memref<1x128x32xf32, #tpu.memory_space<vmem>> -> memref<128x32xf32, #tpu.memory_space<vmem>>
      %dma_start3A_81 = arith.constant 0 : i32
      %dma_start3A_82 = tpu.memref_slice %arg5[%add3A_69, %dma_start3A_81] : memref<200x128xi32, #tpu.memory_space<vmem>> -> memref<1x128xi32, #tpu.memory_space<vmem>>
      %dma_start3A_83 = tpu.memref_squeeze %dma_start3A_82 : memref<1x128xi32, #tpu.memory_space<vmem>> -> memref<128xi32, #tpu.memory_space<vmem>>
      %dma_start3A_84 = arith.constant 0 : i32
      %dma_start3A_85 = arith.constant 0 : i32
      %dma_start3A_86 = tpu.memref_slice %arg3[%dma_start3A_84, %dma_start3A_85] : memref<1000000x32xf32, #tpu.memory_space<hbm>> -> memref<1000000x32xf32, #tpu.memory_space<hbm>>
      tpu.enqueue_indirect_dma source(%dma_start3A_86 : memref<1000000x32xf32, #tpu.memory_space<hbm>>) target(%dma_start3A_80 : memref<128x32xf32, #tpu.memory_space<vmem>>) offsets(%dma_start3A_83 : memref<128xi32, #tpu.memory_space<vmem>>) semaphore(%arg7 : memref<!tpu.dma_semaphore, #tpu.memory_space<semaphore_mem>>)
      %mul3A_87 = arith.constant 4 : i32
      %mul3A_88 = arith.muli %mul3A_87, %mul3A_43 : i32
      %add3A_89 = arith.constant 2 : i32
      %add3A_90 = arith.addi %mul3A_88, %add3A_89 : i32
      %dma_start3A_91 = arith.constant 0 : i32
      %dma_start3A_92 = arith.constant 2 : i32
      %dma_start3A_93 = arith.constant 0 : i32
      %dma_start3A_94 = arith.constant 0 : i32
      %dma_start3A_95 = arith.constant 0 : i32
      %dma_start3A_96 = tpu.memref_slice %arg6[%dma_start3A_91, %dma_start3A_93, %dma_start3A_94, %dma_start3A_95] : memref<2x4x128x32xf32, #tpu.memory_space<vmem>> -> memref<1x4x128x32xf32, #tpu.memory_space<vmem>>
      %dma_start3A_97 = tpu.memref_squeeze %dma_start3A_96 : memref<1x4x128x32xf32, #tpu.memory_space<vmem>> -> memref<4x128x32xf32, #tpu.memory_space<vmem>>
      %dma_start3A_98 = arith.constant 0 : i32
      %dma_start3A_99 = arith.constant 0 : i32
      %dma_start3A_100 = tpu.memref_slice %dma_start3A_97[%dma_start3A_92, %dma_start3A_98, %dma_start3A_99] : memref<4x128x32xf32, #tpu.memory_space<vmem>> -> memref<1x128x32xf32, #tpu.memory_space<vmem>>
      %dma_start3A_101 = tpu.memref_squeeze %dma_start3A_100 : memref<1x128x32xf32, #tpu.memory_space<vmem>> -> memref<128x32xf32, #tpu.memory_space<vmem>>
      %dma_start3A_102 = arith.constant 0 : i32
      %dma_start3A_103 = tpu.memref_slice %arg5[%add3A_90, %dma_start3A_102] : memref<200x128xi32, #tpu.memory_space<vmem>> -> memref<1x128xi32, #tpu.memory_space<vmem>>
      %dma_start3A_104 = tpu.memref_squeeze %dma_start3A_103 : memref<1x128xi32, #tpu.memory_space<vmem>> -> memref<128xi32, #tpu.memory_space<vmem>>
      %dma_start3A_105 = arith.constant 0 : i32
      %dma_start3A_106 = arith.constant 0 : i32
      %dma_start3A_107 = tpu.memref_slice %arg3[%dma_start3A_105, %dma_start3A_106] : memref<1000000x32xf32, #tpu.memory_space<hbm>> -> memref<1000000x32xf32, #tpu.memory_space<hbm>>
      tpu.enqueue_indirect_dma source(%dma_start3A_107 : memref<1000000x32xf32, #tpu.memory_space<hbm>>) target(%dma_start3A_101 : memref<128x32xf32, #tpu.memory_space<vmem>>) offsets(%dma_start3A_104 : memref<128xi32, #tpu.memory_space<vmem>>) semaphore(%arg7 : memref<!tpu.dma_semaphore, #tpu.memory_space<semaphore_mem>>)
      %mul3A_108 = arith.constant 4 : i32
      %mul3A_109 = arith.muli %mul3A_108, %mul3A_43 : i32
      %add3A_110 = arith.constant 3 : i32
      %add3A_111 = arith.addi %mul3A_109, %add3A_110 : i32
      %dma_start3A_112 = arith.constant 0 : i32
      %dma_start3A_113 = arith.constant 3 : i32
      %dma_start3A_114 = arith.constant 0 : i32
      %dma_start3A_115 = arith.constant 0 : i32
      %dma_start3A_116 = arith.constant 0 : i32
      %dma_start3A_117 = tpu.memref_slice %arg6[%dma_start3A_112, %dma_start3A_114, %dma_start3A_115, %dma_start3A_116] : memref<2x4x128x32xf32, #tpu.memory_space<vmem>> -> memref<1x4x128x32xf32, #tpu.memory_space<vmem>>
      %dma_start3A_118 = tpu.memref_squeeze %dma_start3A_117 : memref<1x4x128x32xf32, #tpu.memory_space<vmem>> -> memref<4x128x32xf32, #tpu.memory_space<vmem>>
      %dma_start3A_119 = arith.constant 0 : i32
      %dma_start3A_120 = arith.constant 0 : i32
      %dma_start3A_121 = tpu.memref_slice %dma_start3A_118[%dma_start3A_113, %dma_start3A_119, %dma_start3A_120] : memref<4x128x32xf32, #tpu.memory_space<vmem>> -> memref<1x128x32xf32, #tpu.memory_space<vmem>>
      %dma_start3A_122 = tpu.memref_squeeze %dma_start3A_121 : memref<1x128x32xf32, #tpu.memory_space<vmem>> -> memref<128x32xf32, #tpu.memory_space<vmem>>
      %dma_start3A_123 = arith.constant 0 : i32
      %dma_start3A_124 = tpu.memref_slice %arg5[%add3A_111, %dma_start3A_123] : memref<200x128xi32, #tpu.memory_space<vmem>> -> memref<1x128xi32, #tpu.memory_space<vmem>>
      %dma_start3A_125 = tpu.memref_squeeze %dma_start3A_124 : memref<1x128xi32, #tpu.memory_space<vmem>> -> memref<128xi32, #tpu.memory_space<vmem>>
      %dma_start3A_126 = arith.constant 0 : i32
      %dma_start3A_127 = arith.constant 0 : i32
      %dma_start3A_128 = tpu.memref_slice %arg3[%dma_start3A_126, %dma_start3A_127] : memref<1000000x32xf32, #tpu.memory_space<hbm>> -> memref<1000000x32xf32, #tpu.memory_space<hbm>>
      tpu.enqueue_indirect_dma source(%dma_start3A_128 : memref<1000000x32xf32, #tpu.memory_space<hbm>>) target(%dma_start3A_122 : memref<128x32xf32, #tpu.memory_space<vmem>>) offsets(%dma_start3A_125 : memref<128xi32, #tpu.memory_space<vmem>>) semaphore(%arg7 : memref<!tpu.dma_semaphore, #tpu.memory_space<semaphore_mem>>)
      %gt3A_129 = arith.constant 0 : i32
      %gt3A_130 = arith.cmpi sgt, %scan3A_41, %gt3A_129 : i32
      %convert_element_type3A_131 = arith.extui %gt3A_130 : i1 to i32
      %cond3A_132 = arith.constant 0 : i32
      %cond3A_133 = arith.cmpi ne, %convert_element_type3A_131, %cond3A_132 : i32
      scf.if %cond3A_133 {
        %dma_wait3A_392 = arith.constant 1 : i32
        %dma_wait3A_393 = arith.constant 0 : i32
        %dma_wait3A_394 = arith.constant 0 : i32
        %dma_wait3A_395 = arith.constant 0 : i32
        %dma_wait3A_396 = tpu.memref_slice %arg6[%dma_wait3A_392, %dma_wait3A_393, %dma_wait3A_394, %dma_wait3A_395] : memref<2x4x128x32xf32, #tpu.memory_space<vmem>> -> memref<1x4x128x32xf32, #tpu.memory_space<vmem>>
        %dma_wait3A_397 = tpu.memref_squeeze %dma_wait3A_396 : memref<1x4x128x32xf32, #tpu.memory_space<vmem>> -> memref<4x128x32xf32, #tpu.memory_space<vmem>>
        %dma_wait3A_398 = arith.constant 0 : i32
        %dma_wait3A_399 = arith.constant 0 : i32
        %dma_wait3A_400 = tpu.memref_slice %arg4[%dma_wait3A_398, %mul3A_2, %dma_wait3A_399] : memref<200x4096x32xf32, #tpu.memory_space<hbm>> -> memref<4x128x32xf32, #tpu.memory_space<hbm>>
        %dma_wait3A_401 = arith.constant 0 : i32
        %dma_wait3A_402 = arith.constant 0 : i32
        %dma_wait3A_403 = tpu.memref_slice %arg4[%dma_wait3A_401, %mul3A_2, %dma_wait3A_402] : memref<200x4096x32xf32, #tpu.memory_space<hbm>> -> memref<4x128x32xf32, #tpu.memory_space<hbm>>
        %dma_wait3A_404 = arith.constant 0 : i32
        %dma_wait3A_405 = arith.constant 0 : i32
        %dma_wait3A_406 = arith.constant 0 : i32
        %dma_wait3A_407 = tpu.memref_slice %arg6[%dma_wait3A_392, %dma_wait3A_404, %dma_wait3A_405, %dma_wait3A_406] : memref<2x4x128x32xf32, #tpu.memory_space<vmem>> -> memref<1x4x128x32xf32, #tpu.memory_space<vmem>>
        %dma_wait3A_408 = tpu.memref_squeeze %dma_wait3A_407 : memref<1x4x128x32xf32, #tpu.memory_space<vmem>> -> memref<4x128x32xf32, #tpu.memory_space<vmem>>
        tpu.wait_dma2 semaphore(%arg8 : memref<!tpu.dma_semaphore, #tpu.memory_space<semaphore_mem>>) src(%dma_wait3A_408 : memref<4x128x32xf32, #tpu.memory_space<vmem>>) dst(%dma_wait3A_403 : memref<4x128x32xf32, #tpu.memory_space<hbm>>)
      } else {
      }
      %add3A_134 = arith.constant 1 : i32
      %add3A_135 = arith.addi %mul3A_43, %add3A_134 : i32
      %mul3A_136 = arith.constant 4 : i32
      %mul3A_137 = arith.muli %mul3A_136, %add3A_135 : i32
      %add3A_138 = arith.constant 0 : i32
      %add3A_139 = arith.addi %mul3A_137, %add3A_138 : i32
      %dma_start3A_140 = arith.constant 1 : i32
      %dma_start3A_141 = arith.constant 0 : i32
      %dma_start3A_142 = arith.constant 0 : i32
      %dma_start3A_143 = arith.constant 0 : i32
      %dma_start3A_144 = arith.constant 0 : i32
      %dma_start3A_145 = tpu.memref_slice %arg6[%dma_start3A_140, %dma_start3A_142, %dma_start3A_143, %dma_start3A_144] : memref<2x4x128x32xf32, #tpu.memory_space<vmem>> -> memref<1x4x128x32xf32, #tpu.memory_space<vmem>>
      %dma_start3A_146 = tpu.memref_squeeze %dma_start3A_145 : memref<1x4x128x32xf32, #tpu.memory_space<vmem>> -> memref<4x128x32xf32, #tpu.memory_space<vmem>>
      %dma_start3A_147 = arith.constant 0 : i32
      %dma_start3A_148 = arith.constant 0 : i32
      %dma_start3A_149 = tpu.memref_slice %dma_start3A_146[%dma_start3A_141, %dma_start3A_147, %dma_start3A_148] : memref<4x128x32xf32, #tpu.memory_space<vmem>> -> memref<1x128x32xf32, #tpu.memory_space<vmem>>
      %dma_start3A_150 = tpu.memref_squeeze %dma_start3A_149 : memref<1x128x32xf32, #tpu.memory_space<vmem>> -> memref<128x32xf32, #tpu.memory_space<vmem>>
      %dma_start3A_151 = arith.constant 0 : i32
      %dma_start3A_152 = tpu.memref_slice %arg5[%add3A_139, %dma_start3A_151] : memref<200x128xi32, #tpu.memory_space<vmem>> -> memref<1x128xi32, #tpu.memory_space<vmem>>
      %dma_start3A_153 = tpu.memref_squeeze %dma_start3A_152 : memref<1x128xi32, #tpu.memory_space<vmem>> -> memref<128xi32, #tpu.memory_space<vmem>>
      %dma_start3A_154 = arith.constant 0 : i32
      %dma_start3A_155 = arith.constant 0 : i32
      %dma_start3A_156 = tpu.memref_slice %arg3[%dma_start3A_154, %dma_start3A_155] : memref<1000000x32xf32, #tpu.memory_space<hbm>> -> memref<1000000x32xf32, #tpu.memory_space<hbm>>
      tpu.enqueue_indirect_dma source(%dma_start3A_156 : memref<1000000x32xf32, #tpu.memory_space<hbm>>) target(%dma_start3A_150 : memref<128x32xf32, #tpu.memory_space<vmem>>) offsets(%dma_start3A_153 : memref<128xi32, #tpu.memory_space<vmem>>) semaphore(%arg7 : memref<!tpu.dma_semaphore, #tpu.memory_space<semaphore_mem>>)
      %mul3A_157 = arith.constant 4 : i32
      %mul3A_158 = arith.muli %mul3A_157, %add3A_135 : i32
      %add3A_159 = arith.constant 1 : i32
      %add3A_160 = arith.addi %mul3A_158, %add3A_159 : i32
      %dma_start3A_161 = arith.constant 1 : i32
      %dma_start3A_162 = arith.constant 1 : i32
      %dma_start3A_163 = arith.constant 0 : i32
      %dma_start3A_164 = arith.constant 0 : i32
      %dma_start3A_165 = arith.constant 0 : i32
      %dma_start3A_166 = tpu.memref_slice %arg6[%dma_start3A_161, %dma_start3A_163, %dma_start3A_164, %dma_start3A_165] : memref<2x4x128x32xf32, #tpu.memory_space<vmem>> -> memref<1x4x128x32xf32, #tpu.memory_space<vmem>>
      %dma_start3A_167 = tpu.memref_squeeze %dma_start3A_166 : memref<1x4x128x32xf32, #tpu.memory_space<vmem>> -> memref<4x128x32xf32, #tpu.memory_space<vmem>>
      %dma_start3A_168 = arith.constant 0 : i32
      %dma_start3A_169 = arith.constant 0 : i32
      %dma_start3A_170 = tpu.memref_slice %dma_start3A_167[%dma_start3A_162, %dma_start3A_168, %dma_start3A_169] : memref<4x128x32xf32, #tpu.memory_space<vmem>> -> memref<1x128x32xf32, #tpu.memory_space<vmem>>
      %dma_start3A_171 = tpu.memref_squeeze %dma_start3A_170 : memref<1x128x32xf32, #tpu.memory_space<vmem>> -> memref<128x32xf32, #tpu.memory_space<vmem>>
      %dma_start3A_172 = arith.constant 0 : i32
      %dma_start3A_173 = tpu.memref_slice %arg5[%add3A_160, %dma_start3A_172] : memref<200x128xi32, #tpu.memory_space<vmem>> -> memref<1x128xi32, #tpu.memory_space<vmem>>
      %dma_start3A_174 = tpu.memref_squeeze %dma_start3A_173 : memref<1x128xi32, #tpu.memory_space<vmem>> -> memref<128xi32, #tpu.memory_space<vmem>>
      %dma_start3A_175 = arith.constant 0 : i32
      %dma_start3A_176 = arith.constant 0 : i32
      %dma_start3A_177 = tpu.memref_slice %arg3[%dma_start3A_175, %dma_start3A_176] : memref<1000000x32xf32, #tpu.memory_space<hbm>> -> memref<1000000x32xf32, #tpu.memory_space<hbm>>
      tpu.enqueue_indirect_dma source(%dma_start3A_177 : memref<1000000x32xf32, #tpu.memory_space<hbm>>) target(%dma_start3A_171 : memref<128x32xf32, #tpu.memory_space<vmem>>) offsets(%dma_start3A_174 : memref<128xi32, #tpu.memory_space<vmem>>) semaphore(%arg7 : memref<!tpu.dma_semaphore, #tpu.memory_space<semaphore_mem>>)
      %mul3A_178 = arith.constant 4 : i32
      %mul3A_179 = arith.muli %mul3A_178, %add3A_135 : i32
      %add3A_180 = arith.constant 2 : i32
      %add3A_181 = arith.addi %mul3A_179, %add3A_180 : i32
      %dma_start3A_182 = arith.constant 1 : i32
      %dma_start3A_183 = arith.constant 2 : i32
      %dma_start3A_184 = arith.constant 0 : i32
      %dma_start3A_185 = arith.constant 0 : i32
      %dma_start3A_186 = arith.constant 0 : i32
      %dma_start3A_187 = tpu.memref_slice %arg6[%dma_start3A_182, %dma_start3A_184, %dma_start3A_185, %dma_start3A_186] : memref<2x4x128x32xf32, #tpu.memory_space<vmem>> -> memref<1x4x128x32xf32, #tpu.memory_space<vmem>>
      %dma_start3A_188 = tpu.memref_squeeze %dma_start3A_187 : memref<1x4x128x32xf32, #tpu.memory_space<vmem>> -> memref<4x128x32xf32, #tpu.memory_space<vmem>>
      %dma_start3A_189 = arith.constant 0 : i32
      %dma_start3A_190 = arith.constant 0 : i32
      %dma_start3A_191 = tpu.memref_slice %dma_start3A_188[%dma_start3A_183, %dma_start3A_189, %dma_start3A_190] : memref<4x128x32xf32, #tpu.memory_space<vmem>> -> memref<1x128x32xf32, #tpu.memory_space<vmem>>
      %dma_start3A_192 = tpu.memref_squeeze %dma_start3A_191 : memref<1x128x32xf32, #tpu.memory_space<vmem>> -> memref<128x32xf32, #tpu.memory_space<vmem>>
      %dma_start3A_193 = arith.constant 0 : i32
      %dma_start3A_194 = tpu.memref_slice %arg5[%add3A_181, %dma_start3A_193] : memref<200x128xi32, #tpu.memory_space<vmem>> -> memref<1x128xi32, #tpu.memory_space<vmem>>
      %dma_start3A_195 = tpu.memref_squeeze %dma_start3A_194 : memref<1x128xi32, #tpu.memory_space<vmem>> -> memref<128xi32, #tpu.memory_space<vmem>>
      %dma_start3A_196 = arith.constant 0 : i32
      %dma_start3A_197 = arith.constant 0 : i32
      %dma_start3A_198 = tpu.memref_slice %arg3[%dma_start3A_196, %dma_start3A_197] : memref<1000000x32xf32, #tpu.memory_space<hbm>> -> memref<1000000x32xf32, #tpu.memory_space<hbm>>
      tpu.enqueue_indirect_dma source(%dma_start3A_198 : memref<1000000x32xf32, #tpu.memory_space<hbm>>) target(%dma_start3A_192 : memref<128x32xf32, #tpu.memory_space<vmem>>) offsets(%dma_start3A_195 : memref<128xi32, #tpu.memory_space<vmem>>) semaphore(%arg7 : memref<!tpu.dma_semaphore, #tpu.memory_space<semaphore_mem>>)
      %mul3A_199 = arith.constant 4 : i32
      %mul3A_200 = arith.muli %mul3A_199, %add3A_135 : i32
      %add3A_201 = arith.constant 3 : i32
      %add3A_202 = arith.addi %mul3A_200, %add3A_201 : i32
      %dma_start3A_203 = arith.constant 1 : i32
      %dma_start3A_204 = arith.constant 3 : i32
      %dma_start3A_205 = arith.constant 0 : i32
      %dma_start3A_206 = arith.constant 0 : i32
      %dma_start3A_207 = arith.constant 0 : i32
      %dma_start3A_208 = tpu.memref_slice %arg6[%dma_start3A_203, %dma_start3A_205, %dma_start3A_206, %dma_start3A_207] : memref<2x4x128x32xf32, #tpu.memory_space<vmem>> -> memref<1x4x128x32xf32, #tpu.memory_space<vmem>>
      %dma_start3A_209 = tpu.memref_squeeze %dma_start3A_208 : memref<1x4x128x32xf32, #tpu.memory_space<vmem>> -> memref<4x128x32xf32, #tpu.memory_space<vmem>>
      %dma_start3A_210 = arith.constant 0 : i32
      %dma_start3A_211 = arith.constant 0 : i32
      %dma_start3A_212 = tpu.memref_slice %dma_start3A_209[%dma_start3A_204, %dma_start3A_210, %dma_start3A_211] : memref<4x128x32xf32, #tpu.memory_space<vmem>> -> memref<1x128x32xf32, #tpu.memory_space<vmem>>
      %dma_start3A_213 = tpu.memref_squeeze %dma_start3A_212 : memref<1x128x32xf32, #tpu.memory_space<vmem>> -> memref<128x32xf32, #tpu.memory_space<vmem>>
      %dma_start3A_214 = arith.constant 0 : i32
      %dma_start3A_215 = tpu.memref_slice %arg5[%add3A_202, %dma_start3A_214] : memref<200x128xi32, #tpu.memory_space<vmem>> -> memref<1x128xi32, #tpu.memory_space<vmem>>
      %dma_start3A_216 = tpu.memref_squeeze %dma_start3A_215 : memref<1x128xi32, #tpu.memory_space<vmem>> -> memref<128xi32, #tpu.memory_space<vmem>>
      %dma_start3A_217 = arith.constant 0 : i32
      %dma_start3A_218 = arith.constant 0 : i32
      %dma_start3A_219 = tpu.memref_slice %arg3[%dma_start3A_217, %dma_start3A_218] : memref<1000000x32xf32, #tpu.memory_space<hbm>> -> memref<1000000x32xf32, #tpu.memory_space<hbm>>
      tpu.enqueue_indirect_dma source(%dma_start3A_219 : memref<1000000x32xf32, #tpu.memory_space<hbm>>) target(%dma_start3A_213 : memref<128x32xf32, #tpu.memory_space<vmem>>) offsets(%dma_start3A_216 : memref<128xi32, #tpu.memory_space<vmem>>) semaphore(%arg7 : memref<!tpu.dma_semaphore, #tpu.memory_space<semaphore_mem>>)
      %dma_wait3A_220 = arith.constant 0 : i32
      %dma_wait3A_221 = arith.constant 0 : i32
      %dma_wait3A_222 = arith.constant 0 : i32
      %dma_wait3A_223 = arith.constant 0 : i32
      %dma_wait3A_224 = arith.constant 0 : i32
      %dma_wait3A_225 = tpu.memref_slice %arg6[%dma_wait3A_220, %dma_wait3A_222, %dma_wait3A_223, %dma_wait3A_224] : memref<2x4x128x32xf32, #tpu.memory_space<vmem>> -> memref<1x4x128x32xf32, #tpu.memory_space<vmem>>
      %dma_wait3A_226 = tpu.memref_squeeze %dma_wait3A_225 : memref<1x4x128x32xf32, #tpu.memory_space<vmem>> -> memref<4x128x32xf32, #tpu.memory_space<vmem>>
      %dma_wait3A_227 = arith.constant 0 : i32
      %dma_wait3A_228 = arith.constant 0 : i32
      %dma_wait3A_229 = tpu.memref_slice %dma_wait3A_226[%dma_wait3A_221, %dma_wait3A_227, %dma_wait3A_228] : memref<4x128x32xf32, #tpu.memory_space<vmem>> -> memref<1x128x32xf32, #tpu.memory_space<vmem>>
      %dma_wait3A_230 = tpu.memref_squeeze %dma_wait3A_229 : memref<1x128x32xf32, #tpu.memory_space<vmem>> -> memref<128x32xf32, #tpu.memory_space<vmem>>
      %dma_wait3A_231 = arith.constant 0 : i32
      %dma_wait3A_232 = tpu.memref_slice %arg5[%add3A_49, %dma_wait3A_231] : memref<200x128xi32, #tpu.memory_space<vmem>> -> memref<1x128xi32, #tpu.memory_space<vmem>>
      %dma_wait3A_233 = tpu.memref_squeeze %dma_wait3A_232 : memref<1x128xi32, #tpu.memory_space<vmem>> -> memref<128xi32, #tpu.memory_space<vmem>>
      %dma_wait3A_234 = arith.constant 0 : i32
      %dma_wait3A_235 = arith.constant 0 : i32
      %dma_wait3A_236 = tpu.memref_slice %arg3[%dma_wait3A_234, %dma_wait3A_235] : memref<1000000x32xf32, #tpu.memory_space<hbm>> -> memref<1000000x32xf32, #tpu.memory_space<hbm>>
      tpu.wait_indirect_dma semaphore(%arg7 : memref<!tpu.dma_semaphore, #tpu.memory_space<semaphore_mem>>) src(%dma_wait3A_236 : memref<1000000x32xf32, #tpu.memory_space<hbm>>) dst(%dma_wait3A_230 : memref<128x32xf32, #tpu.memory_space<vmem>>)
      %dma_wait3A_237 = arith.constant 0 : i32
      %dma_wait3A_238 = arith.constant 1 : i32
      %dma_wait3A_239 = arith.constant 0 : i32
      %dma_wait3A_240 = arith.constant 0 : i32
      %dma_wait3A_241 = arith.constant 0 : i32
      %dma_wait3A_242 = tpu.memref_slice %arg6[%dma_wait3A_237, %dma_wait3A_239, %dma_wait3A_240, %dma_wait3A_241] : memref<2x4x128x32xf32, #tpu.memory_space<vmem>> -> memref<1x4x128x32xf32, #tpu.memory_space<vmem>>
      %dma_wait3A_243 = tpu.memref_squeeze %dma_wait3A_242 : memref<1x4x128x32xf32, #tpu.memory_space<vmem>> -> memref<4x128x32xf32, #tpu.memory_space<vmem>>
      %dma_wait3A_244 = arith.constant 0 : i32
      %dma_wait3A_245 = arith.constant 0 : i32
      %dma_wait3A_246 = tpu.memref_slice %dma_wait3A_243[%dma_wait3A_238, %dma_wait3A_244, %dma_wait3A_245] : memref<4x128x32xf32, #tpu.memory_space<vmem>> -> memref<1x128x32xf32, #tpu.memory_space<vmem>>
      %dma_wait3A_247 = tpu.memref_squeeze %dma_wait3A_246 : memref<1x128x32xf32, #tpu.memory_space<vmem>> -> memref<128x32xf32, #tpu.memory_space<vmem>>
      %dma_wait3A_248 = arith.constant 0 : i32
      %dma_wait3A_249 = tpu.memref_slice %arg5[%add3A_69, %dma_wait3A_248] : memref<200x128xi32, #tpu.memory_space<vmem>> -> memref<1x128xi32, #tpu.memory_space<vmem>>
      %dma_wait3A_250 = tpu.memref_squeeze %dma_wait3A_249 : memref<1x128xi32, #tpu.memory_space<vmem>> -> memref<128xi32, #tpu.memory_space<vmem>>
      %dma_wait3A_251 = arith.constant 0 : i32
      %dma_wait3A_252 = arith.constant 0 : i32
      %dma_wait3A_253 = tpu.memref_slice %arg3[%dma_wait3A_251, %dma_wait3A_252] : memref<1000000x32xf32, #tpu.memory_space<hbm>> -> memref<1000000x32xf32, #tpu.memory_space<hbm>>
      tpu.wait_indirect_dma semaphore(%arg7 : memref<!tpu.dma_semaphore, #tpu.memory_space<semaphore_mem>>) src(%dma_wait3A_253 : memref<1000000x32xf32, #tpu.memory_space<hbm>>) dst(%dma_wait3A_247 : memref<128x32xf32, #tpu.memory_space<vmem>>)
      %dma_wait3A_254 = arith.constant 0 : i32
      %dma_wait3A_255 = arith.constant 2 : i32
      %dma_wait3A_256 = arith.constant 0 : i32
      %dma_wait3A_257 = arith.constant 0 : i32
      %dma_wait3A_258 = arith.constant 0 : i32
      %dma_wait3A_259 = tpu.memref_slice %arg6[%dma_wait3A_254, %dma_wait3A_256, %dma_wait3A_257, %dma_wait3A_258] : memref<2x4x128x32xf32, #tpu.memory_space<vmem>> -> memref<1x4x128x32xf32, #tpu.memory_space<vmem>>
      %dma_wait3A_260 = tpu.memref_squeeze %dma_wait3A_259 : memref<1x4x128x32xf32, #tpu.memory_space<vmem>> -> memref<4x128x32xf32, #tpu.memory_space<vmem>>
      %dma_wait3A_261 = arith.constant 0 : i32
      %dma_wait3A_262 = arith.constant 0 : i32
      %dma_wait3A_263 = tpu.memref_slice %dma_wait3A_260[%dma_wait3A_255, %dma_wait3A_261, %dma_wait3A_262] : memref<4x128x32xf32, #tpu.memory_space<vmem>> -> memref<1x128x32xf32, #tpu.memory_space<vmem>>
      %dma_wait3A_264 = tpu.memref_squeeze %dma_wait3A_263 : memref<1x128x32xf32, #tpu.memory_space<vmem>> -> memref<128x32xf32, #tpu.memory_space<vmem>>
      %dma_wait3A_265 = arith.constant 0 : i32
      %dma_wait3A_266 = tpu.memref_slice %arg5[%add3A_90, %dma_wait3A_265] : memref<200x128xi32, #tpu.memory_space<vmem>> -> memref<1x128xi32, #tpu.memory_space<vmem>>
      %dma_wait3A_267 = tpu.memref_squeeze %dma_wait3A_266 : memref<1x128xi32, #tpu.memory_space<vmem>> -> memref<128xi32, #tpu.memory_space<vmem>>
      %dma_wait3A_268 = arith.constant 0 : i32
      %dma_wait3A_269 = arith.constant 0 : i32
      %dma_wait3A_270 = tpu.memref_slice %arg3[%dma_wait3A_268, %dma_wait3A_269] : memref<1000000x32xf32, #tpu.memory_space<hbm>> -> memref<1000000x32xf32, #tpu.memory_space<hbm>>
      tpu.wait_indirect_dma semaphore(%arg7 : memref<!tpu.dma_semaphore, #tpu.memory_space<semaphore_mem>>) src(%dma_wait3A_270 : memref<1000000x32xf32, #tpu.memory_space<hbm>>) dst(%dma_wait3A_264 : memref<128x32xf32, #tpu.memory_space<vmem>>)
      %dma_wait3A_271 = arith.constant 0 : i32
      %dma_wait3A_272 = arith.constant 3 : i32
      %dma_wait3A_273 = arith.constant 0 : i32
      %dma_wait3A_274 = arith.constant 0 : i32
      %dma_wait3A_275 = arith.constant 0 : i32
      %dma_wait3A_276 = tpu.memref_slice %arg6[%dma_wait3A_271, %dma_wait3A_273, %dma_wait3A_274, %dma_wait3A_275] : memref<2x4x128x32xf32, #tpu.memory_space<vmem>> -> memref<1x4x128x32xf32, #tpu.memory_space<vmem>>
      %dma_wait3A_277 = tpu.memref_squeeze %dma_wait3A_276 : memref<1x4x128x32xf32, #tpu.memory_space<vmem>> -> memref<4x128x32xf32, #tpu.memory_space<vmem>>
      %dma_wait3A_278 = arith.constant 0 : i32
      %dma_wait3A_279 = arith.constant 0 : i32
      %dma_wait3A_280 = tpu.memref_slice %dma_wait3A_277[%dma_wait3A_272, %dma_wait3A_278, %dma_wait3A_279] : memref<4x128x32xf32, #tpu.memory_space<vmem>> -> memref<1x128x32xf32, #tpu.memory_space<vmem>>
      %dma_wait3A_281 = tpu.memref_squeeze %dma_wait3A_280 : memref<1x128x32xf32, #tpu.memory_space<vmem>> -> memref<128x32xf32, #tpu.memory_space<vmem>>
      %dma_wait3A_282 = arith.constant 0 : i32
      %dma_wait3A_283 = tpu.memref_slice %arg5[%add3A_111, %dma_wait3A_282] : memref<200x128xi32, #tpu.memory_space<vmem>> -> memref<1x128xi32, #tpu.memory_space<vmem>>
      %dma_wait3A_284 = tpu.memref_squeeze %dma_wait3A_283 : memref<1x128xi32, #tpu.memory_space<vmem>> -> memref<128xi32, #tpu.memory_space<vmem>>
      %dma_wait3A_285 = arith.constant 0 : i32
      %dma_wait3A_286 = arith.constant 0 : i32
      %dma_wait3A_287 = tpu.memref_slice %arg3[%dma_wait3A_285, %dma_wait3A_286] : memref<1000000x32xf32, #tpu.memory_space<hbm>> -> memref<1000000x32xf32, #tpu.memory_space<hbm>>
      tpu.wait_indirect_dma semaphore(%arg7 : memref<!tpu.dma_semaphore, #tpu.memory_space<semaphore_mem>>) src(%dma_wait3A_287 : memref<1000000x32xf32, #tpu.memory_space<hbm>>) dst(%dma_wait3A_281 : memref<128x32xf32, #tpu.memory_space<vmem>>)
      %mul3A_288 = arith.constant 4 : i32
      %mul3A_289 = arith.muli %mul3A_288, %mul3A_43 : i32
      %dma_start3A_290 = arith.constant 0 : i32
      %dma_start3A_291 = arith.constant 0 : i32
      %dma_start3A_292 = arith.constant 0 : i32
      %dma_start3A_293 = arith.constant 0 : i32
      %dma_start3A_294 = tpu.memref_slice %arg6[%dma_start3A_290, %dma_start3A_291, %dma_start3A_292, %dma_start3A_293] : memref<2x4x128x32xf32, #tpu.memory_space<vmem>> -> memref<1x4x128x32xf32, #tpu.memory_space<vmem>>
      %dma_start3A_295 = tpu.memref_squeeze %dma_start3A_294 : memref<1x4x128x32xf32, #tpu.memory_space<vmem>> -> memref<4x128x32xf32, #tpu.memory_space<vmem>>
      %dma_start3A_296 = arith.constant 0 : i32
      %dma_start3A_297 = tpu.memref_slice %arg4[%mul3A_289, %mul3A_2, %dma_start3A_296] : memref<200x4096x32xf32, #tpu.memory_space<hbm>> -> memref<4x128x32xf32, #tpu.memory_space<hbm>>
      %dma_start3A_298 = arith.constant 0 : i32
      %dma_start3A_299 = tpu.memref_slice %arg4[%mul3A_289, %mul3A_2, %dma_start3A_298] : memref<200x4096x32xf32, #tpu.memory_space<hbm>> -> memref<4x128x32xf32, #tpu.memory_space<hbm>>
      %dma_start3A_300 = arith.constant 0 : i32
      %dma_start3A_301 = arith.constant 0 : i32
      %dma_start3A_302 = arith.constant 0 : i32
      %dma_start3A_303 = tpu.memref_slice %arg6[%dma_start3A_290, %dma_start3A_300, %dma_start3A_301, %dma_start3A_302] : memref<2x4x128x32xf32, #tpu.memory_space<vmem>> -> memref<1x4x128x32xf32, #tpu.memory_space<vmem>>
      %dma_start3A_304 = tpu.memref_squeeze %dma_start3A_303 : memref<1x4x128x32xf32, #tpu.memory_space<vmem>> -> memref<4x128x32xf32, #tpu.memory_space<vmem>>
      tpu.enqueue_dma source(%dma_start3A_304 : memref<4x128x32xf32, #tpu.memory_space<vmem>>) target(%dma_start3A_299 : memref<4x128x32xf32, #tpu.memory_space<hbm>>) target_semaphore(%arg8 : memref<!tpu.dma_semaphore, #tpu.memory_space<semaphore_mem>>)
      %dma_wait3A_305 = arith.constant 1 : i32
      %dma_wait3A_306 = arith.constant 0 : i32
      %dma_wait3A_307 = arith.constant 0 : i32
      %dma_wait3A_308 = arith.constant 0 : i32
      %dma_wait3A_309 = arith.constant 0 : i32
      %dma_wait3A_310 = tpu.memref_slice %arg6[%dma_wait3A_305, %dma_wait3A_307, %dma_wait3A_308, %dma_wait3A_309] : memref<2x4x128x32xf32, #tpu.memory_space<vmem>> -> memref<1x4x128x32xf32, #tpu.memory_space<vmem>>
      %dma_wait3A_311 = tpu.memref_squeeze %dma_wait3A_310 : memref<1x4x128x32xf32, #tpu.memory_space<vmem>> -> memref<4x128x32xf32, #tpu.memory_space<vmem>>
      %dma_wait3A_312 = arith.constant 0 : i32
      %dma_wait3A_313 = arith.constant 0 : i32
      %dma_wait3A_314 = tpu.memref_slice %dma_wait3A_311[%dma_wait3A_306, %dma_wait3A_312, %dma_wait3A_313] : memref<4x128x32xf32, #tpu.memory_space<vmem>> -> memref<1x128x32xf32, #tpu.memory_space<vmem>>
      %dma_wait3A_315 = tpu.memref_squeeze %dma_wait3A_314 : memref<1x128x32xf32, #tpu.memory_space<vmem>> -> memref<128x32xf32, #tpu.memory_space<vmem>>
      %dma_wait3A_316 = arith.constant 0 : i32
      %dma_wait3A_317 = tpu.memref_slice %arg5[%add3A_139, %dma_wait3A_316] : memref<200x128xi32, #tpu.memory_space<vmem>> -> memref<1x128xi32, #tpu.memory_space<vmem>>
      %dma_wait3A_318 = tpu.memref_squeeze %dma_wait3A_317 : memref<1x128xi32, #tpu.memory_space<vmem>> -> memref<128xi32, #tpu.memory_space<vmem>>
      %dma_wait3A_319 = arith.constant 0 : i32
      %dma_wait3A_320 = arith.constant 0 : i32
      %dma_wait3A_321 = tpu.memref_slice %arg3[%dma_wait3A_319, %dma_wait3A_320] : memref<1000000x32xf32, #tpu.memory_space<hbm>> -> memref<1000000x32xf32, #tpu.memory_space<hbm>>
      tpu.wait_indirect_dma semaphore(%arg7 : memref<!tpu.dma_semaphore, #tpu.memory_space<semaphore_mem>>) src(%dma_wait3A_321 : memref<1000000x32xf32, #tpu.memory_space<hbm>>) dst(%dma_wait3A_315 : memref<128x32xf32, #tpu.memory_space<vmem>>)
      %dma_wait3A_322 = arith.constant 1 : i32
      %dma_wait3A_323 = arith.constant 1 : i32
      %dma_wait3A_324 = arith.constant 0 : i32
      %dma_wait3A_325 = arith.constant 0 : i32
      %dma_wait3A_326 = arith.constant 0 : i32
      %dma_wait3A_327 = tpu.memref_slice %arg6[%dma_wait3A_322, %dma_wait3A_324, %dma_wait3A_325, %dma_wait3A_326] : memref<2x4x128x32xf32, #tpu.memory_space<vmem>> -> memref<1x4x128x32xf32, #tpu.memory_space<vmem>>
      %dma_wait3A_328 = tpu.memref_squeeze %dma_wait3A_327 : memref<1x4x128x32xf32, #tpu.memory_space<vmem>> -> memref<4x128x32xf32, #tpu.memory_space<vmem>>
      %dma_wait3A_329 = arith.constant 0 : i32
      %dma_wait3A_330 = arith.constant 0 : i32
      %dma_wait3A_331 = tpu.memref_slice %dma_wait3A_328[%dma_wait3A_323, %dma_wait3A_329, %dma_wait3A_330] : memref<4x128x32xf32, #tpu.memory_space<vmem>> -> memref<1x128x32xf32, #tpu.memory_space<vmem>>
      %dma_wait3A_332 = tpu.memref_squeeze %dma_wait3A_331 : memref<1x128x32xf32, #tpu.memory_space<vmem>> -> memref<128x32xf32, #tpu.memory_space<vmem>>
      %dma_wait3A_333 = arith.constant 0 : i32
      %dma_wait3A_334 = tpu.memref_slice %arg5[%add3A_160, %dma_wait3A_333] : memref<200x128xi32, #tpu.memory_space<vmem>> -> memref<1x128xi32, #tpu.memory_space<vmem>>
      %dma_wait3A_335 = tpu.memref_squeeze %dma_wait3A_334 : memref<1x128xi32, #tpu.memory_space<vmem>> -> memref<128xi32, #tpu.memory_space<vmem>>
      %dma_wait3A_336 = arith.constant 0 : i32
      %dma_wait3A_337 = arith.constant 0 : i32
      %dma_wait3A_338 = tpu.memref_slice %arg3[%dma_wait3A_336, %dma_wait3A_337] : memref<1000000x32xf32, #tpu.memory_space<hbm>> -> memref<1000000x32xf32, #tpu.memory_space<hbm>>
      tpu.wait_indirect_dma semaphore(%arg7 : memref<!tpu.dma_semaphore, #tpu.memory_space<semaphore_mem>>) src(%dma_wait3A_338 : memref<1000000x32xf32, #tpu.memory_space<hbm>>) dst(%dma_wait3A_332 : memref<128x32xf32, #tpu.memory_space<vmem>>)
      %dma_wait3A_339 = arith.constant 1 : i32
      %dma_wait3A_340 = arith.constant 2 : i32
      %dma_wait3A_341 = arith.constant 0 : i32
      %dma_wait3A_342 = arith.constant 0 : i32
      %dma_wait3A_343 = arith.constant 0 : i32
      %dma_wait3A_344 = tpu.memref_slice %arg6[%dma_wait3A_339, %dma_wait3A_341, %dma_wait3A_342, %dma_wait3A_343] : memref<2x4x128x32xf32, #tpu.memory_space<vmem>> -> memref<1x4x128x32xf32, #tpu.memory_space<vmem>>
      %dma_wait3A_345 = tpu.memref_squeeze %dma_wait3A_344 : memref<1x4x128x32xf32, #tpu.memory_space<vmem>> -> memref<4x128x32xf32, #tpu.memory_space<vmem>>
      %dma_wait3A_346 = arith.constant 0 : i32
      %dma_wait3A_347 = arith.constant 0 : i32
      %dma_wait3A_348 = tpu.memref_slice %dma_wait3A_345[%dma_wait3A_340, %dma_wait3A_346, %dma_wait3A_347] : memref<4x128x32xf32, #tpu.memory_space<vmem>> -> memref<1x128x32xf32, #tpu.memory_space<vmem>>
      %dma_wait3A_349 = tpu.memref_squeeze %dma_wait3A_348 : memref<1x128x32xf32, #tpu.memory_space<vmem>> -> memref<128x32xf32, #tpu.memory_space<vmem>>
      %dma_wait3A_350 = arith.constant 0 : i32
      %dma_wait3A_351 = tpu.memref_slice %arg5[%add3A_181, %dma_wait3A_350] : memref<200x128xi32, #tpu.memory_space<vmem>> -> memref<1x128xi32, #tpu.memory_space<vmem>>
      %dma_wait3A_352 = tpu.memref_squeeze %dma_wait3A_351 : memref<1x128xi32, #tpu.memory_space<vmem>> -> memref<128xi32, #tpu.memory_space<vmem>>
      %dma_wait3A_353 = arith.constant 0 : i32
      %dma_wait3A_354 = arith.constant 0 : i32
      %dma_wait3A_355 = tpu.memref_slice %arg3[%dma_wait3A_353, %dma_wait3A_354] : memref<1000000x32xf32, #tpu.memory_space<hbm>> -> memref<1000000x32xf32, #tpu.memory_space<hbm>>
      tpu.wait_indirect_dma semaphore(%arg7 : memref<!tpu.dma_semaphore, #tpu.memory_space<semaphore_mem>>) src(%dma_wait3A_355 : memref<1000000x32xf32, #tpu.memory_space<hbm>>) dst(%dma_wait3A_349 : memref<128x32xf32, #tpu.memory_space<vmem>>)
      %dma_wait3A_356 = arith.constant 1 : i32
      %dma_wait3A_357 = arith.constant 3 : i32
      %dma_wait3A_358 = arith.constant 0 : i32
      %dma_wait3A_359 = arith.constant 0 : i32
      %dma_wait3A_360 = arith.constant 0 : i32
      %dma_wait3A_361 = tpu.memref_slice %arg6[%dma_wait3A_356, %dma_wait3A_358, %dma_wait3A_359, %dma_wait3A_360] : memref<2x4x128x32xf32, #tpu.memory_space<vmem>> -> memref<1x4x128x32xf32, #tpu.memory_space<vmem>>
      %dma_wait3A_362 = tpu.memref_squeeze %dma_wait3A_361 : memref<1x4x128x32xf32, #tpu.memory_space<vmem>> -> memref<4x128x32xf32, #tpu.memory_space<vmem>>
      %dma_wait3A_363 = arith.constant 0 : i32
      %dma_wait3A_364 = arith.constant 0 : i32
      %dma_wait3A_365 = tpu.memref_slice %dma_wait3A_362[%dma_wait3A_357, %dma_wait3A_363, %dma_wait3A_364] : memref<4x128x32xf32, #tpu.memory_space<vmem>> -> memref<1x128x32xf32, #tpu.memory_space<vmem>>
      %dma_wait3A_366 = tpu.memref_squeeze %dma_wait3A_365 : memref<1x128x32xf32, #tpu.memory_space<vmem>> -> memref<128x32xf32, #tpu.memory_space<vmem>>
      %dma_wait3A_367 = arith.constant 0 : i32
      %dma_wait3A_368 = tpu.memref_slice %arg5[%add3A_202, %dma_wait3A_367] : memref<200x128xi32, #tpu.memory_space<vmem>> -> memref<1x128xi32, #tpu.memory_space<vmem>>
      %dma_wait3A_369 = tpu.memref_squeeze %dma_wait3A_368 : memref<1x128xi32, #tpu.memory_space<vmem>> -> memref<128xi32, #tpu.memory_space<vmem>>
      %dma_wait3A_370 = arith.constant 0 : i32
      %dma_wait3A_371 = arith.constant 0 : i32
      %dma_wait3A_372 = tpu.memref_slice %arg3[%dma_wait3A_370, %dma_wait3A_371] : memref<1000000x32xf32, #tpu.memory_space<hbm>> -> memref<1000000x32xf32, #tpu.memory_space<hbm>>
      tpu.wait_indirect_dma semaphore(%arg7 : memref<!tpu.dma_semaphore, #tpu.memory_space<semaphore_mem>>) src(%dma_wait3A_372 : memref<1000000x32xf32, #tpu.memory_space<hbm>>) dst(%dma_wait3A_366 : memref<128x32xf32, #tpu.memory_space<vmem>>)
      %add3A_373 = arith.constant 1 : i32
      %add3A_374 = arith.addi %mul3A_43, %add3A_373 : i32
      %mul3A_375 = arith.constant 4 : i32
      %mul3A_376 = arith.muli %mul3A_375, %add3A_374 : i32
      %dma_start3A_377 = arith.constant 1 : i32
      %dma_start3A_378 = arith.constant 0 : i32
      %dma_start3A_379 = arith.constant 0 : i32
      %dma_start3A_380 = arith.constant 0 : i32
      %dma_start3A_381 = tpu.memref_slice %arg6[%dma_start3A_377, %dma_start3A_378, %dma_start3A_379, %dma_start3A_380] : memref<2x4x128x32xf32, #tpu.memory_space<vmem>> -> memref<1x4x128x32xf32, #tpu.memory_space<vmem>>
      %dma_start3A_382 = tpu.memref_squeeze %dma_start3A_381 : memref<1x4x128x32xf32, #tpu.memory_space<vmem>> -> memref<4x128x32xf32, #tpu.memory_space<vmem>>
      %dma_start3A_383 = arith.constant 0 : i32
      %dma_start3A_384 = tpu.memref_slice %arg4[%mul3A_376, %mul3A_2, %dma_start3A_383] : memref<200x4096x32xf32, #tpu.memory_space<hbm>> -> memref<4x128x32xf32, #tpu.memory_space<hbm>>
      %dma_start3A_385 = arith.constant 0 : i32
      %dma_start3A_386 = tpu.memref_slice %arg4[%mul3A_376, %mul3A_2, %dma_start3A_385] : memref<200x4096x32xf32, #tpu.memory_space<hbm>> -> memref<4x128x32xf32, #tpu.memory_space<hbm>>
      %dma_start3A_387 = arith.constant 0 : i32
      %dma_start3A_388 = arith.constant 0 : i32
      %dma_start3A_389 = arith.constant 0 : i32
      %dma_start3A_390 = tpu.memref_slice %arg6[%dma_start3A_377, %dma_start3A_387, %dma_start3A_388, %dma_start3A_389] : memref<2x4x128x32xf32, #tpu.memory_space<vmem>> -> memref<1x4x128x32xf32, #tpu.memory_space<vmem>>
      %dma_start3A_391 = tpu.memref_squeeze %dma_start3A_390 : memref<1x4x128x32xf32, #tpu.memory_space<vmem>> -> memref<4x128x32xf32, #tpu.memory_space<vmem>>
      tpu.enqueue_dma source(%dma_start3A_391 : memref<4x128x32xf32, #tpu.memory_space<vmem>>) target(%dma_start3A_386 : memref<4x128x32xf32, #tpu.memory_space<hbm>>) target_semaphore(%arg8 : memref<!tpu.dma_semaphore, #tpu.memory_space<semaphore_mem>>)
    }
    %scan3A_7 = arith.constant 25 : i32
    %dma_wait3A = arith.constant 0 : i32
    %dma_wait3A_8 = arith.constant 0 : i32
    %dma_wait3A_9 = arith.constant 0 : i32
    %dma_wait3A_10 = arith.constant 0 : i32
    %dma_wait3A_11 = tpu.memref_slice %arg6[%dma_wait3A, %dma_wait3A_8, %dma_wait3A_9, %dma_wait3A_10] : memref<2x4x128x32xf32, #tpu.memory_space<vmem>> -> memref<1x4x128x32xf32, #tpu.memory_space<vmem>>
    %dma_wait3A_12 = tpu.memref_squeeze %dma_wait3A_11 : memref<1x4x128x32xf32, #tpu.memory_space<vmem>> -> memref<4x128x32xf32, #tpu.memory_space<vmem>>
    %dma_wait3A_13 = arith.constant 0 : i32
    %dma_wait3A_14 = arith.constant 0 : i32
    %dma_wait3A_15 = tpu.memref_slice %arg4[%dma_wait3A_13, %mul3A_2, %dma_wait3A_14] : memref<200x4096x32xf32, #tpu.memory_space<hbm>> -> memref<4x128x32xf32, #tpu.memory_space<hbm>>
    %dma_wait3A_16 = arith.constant 0 : i32
    %dma_wait3A_17 = arith.constant 0 : i32
    %dma_wait3A_18 = tpu.memref_slice %arg4[%dma_wait3A_16, %mul3A_2, %dma_wait3A_17] : memref<200x4096x32xf32, #tpu.memory_space<hbm>> -> memref<4x128x32xf32, #tpu.memory_space<hbm>>
    %dma_wait3A_19 = arith.constant 0 : i32
    %dma_wait3A_20 = arith.constant 0 : i32
    %dma_wait3A_21 = arith.constant 0 : i32
    %dma_wait3A_22 = tpu.memref_slice %arg6[%dma_wait3A, %dma_wait3A_19, %dma_wait3A_20, %dma_wait3A_21] : memref<2x4x128x32xf32, #tpu.memory_space<vmem>> -> memref<1x4x128x32xf32, #tpu.memory_space<vmem>>
    %dma_wait3A_23 = tpu.memref_squeeze %dma_wait3A_22 : memref<1x4x128x32xf32, #tpu.memory_space<vmem>> -> memref<4x128x32xf32, #tpu.memory_space<vmem>>
    tpu.wait_dma2 semaphore(%arg8 : memref<!tpu.dma_semaphore, #tpu.memory_space<semaphore_mem>>) src(%dma_wait3A_23 : memref<4x128x32xf32, #tpu.memory_space<vmem>>) dst(%dma_wait3A_18 : memref<4x128x32xf32, #tpu.memory_space<hbm>>)
    %dma_wait3A_24 = arith.constant 1 : i32
    %dma_wait3A_25 = arith.constant 0 : i32
    %dma_wait3A_26 = arith.constant 0 : i32
    %dma_wait3A_27 = arith.constant 0 : i32
    %dma_wait3A_28 = tpu.memref_slice %arg6[%dma_wait3A_24, %dma_wait3A_25, %dma_wait3A_26, %dma_wait3A_27] : memref<2x4x128x32xf32, #tpu.memory_space<vmem>> -> memref<1x4x128x32xf32, #tpu.memory_space<vmem>>
    %dma_wait3A_29 = tpu.memref_squeeze %dma_wait3A_28 : memref<1x4x128x32xf32, #tpu.memory_space<vmem>> -> memref<4x128x32xf32, #tpu.memory_space<vmem>>
    %dma_wait3A_30 = arith.constant 0 : i32
    %dma_wait3A_31 = arith.constant 0 : i32
    %dma_wait3A_32 = tpu.memref_slice %arg4[%dma_wait3A_30, %mul3A_2, %dma_wait3A_31] : memref<200x4096x32xf32, #tpu.memory_space<hbm>> -> memref<4x128x32xf32, #tpu.memory_space<hbm>>
    %dma_wait3A_33 = arith.constant 0 : i32
    %dma_wait3A_34 = arith.constant 0 : i32
    %dma_wait3A_35 = tpu.memref_slice %arg4[%dma_wait3A_33, %mul3A_2, %dma_wait3A_34] : memref<200x4096x32xf32, #tpu.memory_space<hbm>> -> memref<4x128x32xf32, #tpu.memory_space<hbm>>
    %dma_wait3A_36 = arith.constant 0 : i32
    %dma_wait3A_37 = arith.constant 0 : i32
    %dma_wait3A_38 = arith.constant 0 : i32
    %dma_wait3A_39 = tpu.memref_slice %arg6[%dma_wait3A_24, %dma_wait3A_36, %dma_wait3A_37, %dma_wait3A_38] : memref<2x4x128x32xf32, #tpu.memory_space<vmem>> -> memref<1x4x128x32xf32, #tpu.memory_space<vmem>>
    %dma_wait3A_40 = tpu.memref_squeeze %dma_wait3A_39 : memref<1x4x128x32xf32, #tpu.memory_space<vmem>> -> memref<4x128x32xf32, #tpu.memory_space<vmem>>
    tpu.wait_dma2 semaphore(%arg8 : memref<!tpu.dma_semaphore, #tpu.memory_space<semaphore_mem>>) src(%dma_wait3A_40 : memref<4x128x32xf32, #tpu.memory_space<vmem>>) dst(%dma_wait3A_35 : memref<4x128x32xf32, #tpu.memory_space<hbm>>)
    return
  }
}

</mosaic_0001>

<sc_bundles>
// kernel: kernel.3.cloned.1.call-start
scs
__scs_entry_jumppad:
0x0: {  	(pc) =	sbr.rel $0x88, $3  }
0x1: {  	(tag) =	ssettag $0x0;
	lr =	simm.s32 $0x1  }
0x2: {  	[smem:$0x3F9F] =	sst lr;
	_ =	strace $0xD0000000  }
0x3: {  	_ = 	snop  }
0x4: {  	_ = 	snop  }
0x5: {  	_ = 	snop  }
0x6: {  	_ = 	snop  }
0x7: {  	_ = 	snop  }
__scs_overlays_trampoline_lowered:
0x8: {  	[smem:$0x3FAE] =	sst s0  }
0x9: {  	[smem:$0x3FAF] =	sst s1  }
0xa: {  	[smem:$0x3FB0] =	sst s2  }
0xb: {  	[smem:$0x3FB1] =	sst s3  }
0xc: {  	[smem:$0x3FB2] =	sst s4  }
0xd: {  	[smem:$0x3FB3] =	sst s5  }
0xe: {  	[smem:$0x3FB4] =	sst s6  }
0xf: {  	[smem:$0x3FB5] =	sst s7  }
0x10: {  	[smem:$0x3FB6] =	sst s8  }
0x11: {  	[smem:$0x3FB7] =	sst s9;
	s0 =	simm.s32 @!p0 $0x0  }
0x12: {  	s1 =	sld [smem:$0x3F9D];
	s0 =	simm.s32 @p0 $0x1  }
0x13: {  	[smem:$0x3FB8] =	sst s0;
	s0 =	simm.s32 @!p1 $0x0  }
0x14: {  	s2 =	sld [smem:$0x3F9C];
	s0 =	simm.s32 @p1 $0x1  }
0x15: {  	[smem:$0x3FB9] =	sst s0;
	s0 =	simm.s32 @!p2 $0x0  }
0x16: {  	s3 =	sld [smem:$0x3FDB];
	s0 =	simm.s32 @p2 $0x1  }
0x17: {  	s4 =	simm.s32 $0x1BF5;
	[smem:$0x3FBB] =	sst s0  }
0x18: {  	s0 =	sld [smem:$0x3F9E];
	_ =	swait.ge [sflag:s4], $0x0  }
0x19: {  	s7 =	sld [smem:$0x3F9F]  }
0x1a: {  	s8 =	sadd.s32 $0xFFFFE003, lr  }
0x1b: {  	s9 =	sadd.s32 $0xFFFFFEF7, lr;
	s5 =	simm.s32 $0xFFFFFFFF;
	p2 =	slt.u32 s8, $0xFFFFF086  }
0x1c: {  	p1 =	slt.u32 s9, $0xF7A;
	s5 =	simm.s32 @!p2 $0x0  }
0x1d: {  	s5 =	simm.s32 @p1 $0x1;
	p0 =	seq.s32 s7, s2  }
0x1e: {  	s7 =	smul.u32 @!p0 $0xF7A, s2;
	p2 =	seq.s32 @!p0 s5, $0x0  }
0x1f: {  	s9 =	smul.u32 $0xF7A, s1;
	s8 =	simm.s32 @!p0 $0x1BF5;
	p2 =	por !p2, p0  }
0x20: {  	[sflag:s8] =	ssyncset.s32 @!p0 $0xFFFFF086;
	s6 =	sadd.s32 @!p0 s3, s7;
	s7 =	simm.s32 @!p0 $0x108  }
0x21: {  	s3 =	sadd.s32 s3, s9;
	s6 =	sadd.s32 @!p0 $0x88, s6;
	s7 =	simm.s32 @p2 $0x1082  }
0x22: {  	[simem:s7], [sflag:s8] =	dma.local @!p0 [hbm:s6], $0xF7A  }
0x23: {  	s9 =	sor.u32 $0xD0000000, s2;
	s6 =	simm.s32 $0x108;
	_ =	swait.ge @!p0 [sflag:s8], $0x0  }
0x24: {  	s3 =	sadd.s32 $0x88, s3;
	s6 =	simm.s32 @!p1 $0x1082;
	[sflag:s4] =	ssyncset.s32 $0xFFFFF086  }
0x25: {  	[simem:s6], [sflag:s4] =	dma.local [hbm:s3], $0xF7A  }
0x26: {  	[smem:$0x3F9F] =	sst s1;
	(tag) =	ssettag s2;
	_ =	strace s9  }
0x27: {  	s1 =	sld [smem:$0x3FAF]  }
0x28: {  	s2 =	sld [smem:$0x3FB0]  }
0x29: {  	s4 =	sld [smem:$0x3FB2]  }
0x2a: {  	p0 =	seq.s32 s5, $0x0;
	s5 =	sld [smem:$0x3FB3]  }
0x2b: {  	s6 =	sld [smem:$0x3FB4]  }
0x2c: {  	s7 =	sld [smem:$0x3FB5]  }
0x2d: {  	s3 =	simm.s32 $0x108;
	s8 =	sld [smem:$0x3FB6]  }
0x2e: {  	s3 =	simm.s32 @!p0 $0x1082;
	s9 =	sld [smem:$0x3FB7]  }
0x2f: {  	lr =	sadd.s32 s0, s3;
	s0 =	sld [smem:$0x3FAE]  }
0x30: {  	s3 =	sld [smem:$0x3FB1]  }
0x31: {  	[smem:$0x3FBA] =	sst s10  }
0x32: {  	s10 =	sld [smem:$0x3FB8];
	_ =	sdelay $0x3  }
0x33: {  	p0 =	seq.s32 s10, $0x1;
	s10 =	sld [smem:$0x3FBA];
	_ =	sdelay $0x3  }
0x34: {  	[smem:$0x3FBA] =	sst s10  }
0x35: {  	s10 =	sld [smem:$0x3FB9];
	_ =	sdelay $0x3  }
0x36: {  	p1 =	seq.s32 s10, $0x1;
	s10 =	sld [smem:$0x3FBA];
	_ =	sdelay $0x3  }
0x37: {  	[smem:$0x3FBA] =	sst s10  }
0x38: {  	s10 =	sld [smem:$0x3FBB]  }
0x39: {  	_ = 	snop;
	(pc) =	sbr.ind lr, $3  }
0x3a: {  	_ = 	snop  }
0x3b: {  	_ = 	snop  }
0x3c: {  	p2 =	seq.s32 s10, $0x1;
	s10 =	sld [smem:$0x3FBA]  }
0x3d: {  	_ =	shalt  }
0x3e: {  	_ =	shalt  }
0x3f: {  	_ =	shalt  }
0x40: {  	_ =	shalt  }
0x41: {  	_ =	shalt  }
0x42: {  	_ =	shalt  }
0x43: {  	_ =	shalt  }
0x44: {  	_ =	shalt  }
0x45: {  	_ =	shalt  }
0x46: {  	_ =	shalt  }
0x47: {  	_ =	shalt  }
0x48: {  	_ =	shalt  }
0x49: {  	_ =	shalt  }
0x4a: {  	_ =	shalt  }
0x4b: {  	_ =	shalt  }
0x4c: {  	_ =	shalt  }
0x4d: {  	_ =	shalt  }
0x4e: {  	_ =	shalt  }
0x4f: {  	_ =	shalt  }
0x50: {  	_ =	shalt  }
0x51: {  	_ =	shalt  }
0x52: {  	_ =	shalt  }
0x53: {  	_ =	shalt  }
0x54: {  	_ =	shalt  }
0x55: {  	_ =	shalt  }
0x56: {  	_ =	shalt  }
0x57: {  	_ =	shalt  }
0x58: {  	_ =	shalt  }
0x59: {  	_ =	shalt  }
0x5a: {  	_ =	shalt  }
0x5b: {  	_ =	shalt  }
0x5c: {  	_ =	shalt  }
0x5d: {  	_ =	shalt  }
0x5e: {  	_ =	shalt  }
0x5f: {  	_ =	shalt  }
0x60: {  	_ =	shalt  }
0x61: {  	_ =	shalt  }
0x62: {  	_ =	shalt  }
0x63: {  	_ =	shalt  }
0x64: {  	_ =	shalt  }
0x65: {  	_ =	shalt  }
0x66: {  	_ =	shalt  }
0x67: {  	_ =	shalt  }
0x68: {  	_ =	shalt  }
0x69: {  	_ =	shalt  }
0x6a: {  	_ =	shalt  }
0x6b: {  	_ =	shalt  }
0x6c: {  	_ =	shalt  }
0x6d: {  	_ =	shalt  }
0x6e: {  	_ =	shalt  }
0x6f: {  	_ =	shalt  }
0x70: {  	_ =	shalt  }
0x71: {  	_ =	shalt  }
0x72: {  	_ =	shalt  }
0x73: {  	_ =	shalt  }
0x74: {  	_ =	shalt  }
0x75: {  	_ =	shalt  }
0x76: {  	_ =	shalt  }
0x77: {  	_ =	shalt  }
0x78: {  	_ =	shalt  }
0x79: {  	_ =	shalt  }
0x7a: {  	_ =	shalt  }
0x7b: {  	_ =	shalt  }
0x7c: {  	_ =	shalt  }
0x7d: {  	_ =	shalt  }
0x7e: {  	_ =	shalt  }
0x7f: {  	_ =	shalt  }
0x80: {  	_ =	shalt  }
0x81: {  	_ =	shalt  }
0x82: {  	_ =	shalt  }
0x83: {  	_ =	shalt  }
0x84: {  	_ =	shalt  }
0x85: {  	_ =	shalt  }
0x86: {  	_ =	shalt  }
0x87: {  	_ =	shalt  }
.Lfunc_end0:
.L_simem_size_0:
called_computation.1_lowered:
.L_overlay_start_0:
0x88: {  	s2 =	sld [smem:$0x3FD9]  }
0x89: {  	s3 =	sld [smem:$0x3FFE];
	_ =	sdelay $0x1  }
0x8a: {  	s1 =	srdreg.scid  }
0x8b: {  	s0 =	sand.u32 $0x1, s1  }
0x8c: {  	s17 =	sshll.u32 s0, $0xA;
	s2 =	sadd.s32 s3, s2  }
0x8d: {  	s2 =	sadd.s32 s2, s17  }
0x8e: {  	[smem:$0x3FC6] =	sst s2  }
0x8f: {  	_ = 	snop  }
0x90: {  	s2 =	sld [smem:$0x3FD0];
	(tm) =	ssettm $0x1  }
0x91: {  	s18 =	sld [smem:$0x3FFB];
	_ =	sdelay $0x3  }
0x92: {  	_ =	strace s18  }
0x93: {  	s3 =	sld [smem:$0x3FFC];
	_ =	sdelay $0x3  }
0x94: {  	_ =	strace s3  }
0x95: {  	s3 =	sld [smem:$0x3FFD];
	_ =	sdelay $0x3  }
0x96: {  	_ =	strace s3  }
0x97: {  	_ =	strace $0x8FFFFFFF  }
0x98: {  	s19 =	sld [smem:$0x3FDB];
	_ =	sdelay $0x1  }
0x99: {  	s4 =	simm.s32 $_scs_section_size  }
0x9a: {  	s5 =	simm.s32 $_size__tile_overlayer_lowered;
	s6 =	simm.s32 $_tile_overlayer_lowered  }
0x9b: {  	s22 =	simm.s32 $0x1BFF;
	s21 =	sshll.u32 s6, $0x1;
	s3 =	sadd.s32 s4, s19  }
0x9c: {  	s7 =	simm.s32 $0x0;
	s20 =	sshll.u32 s5, $0x1;
	s5 =	sadd.s32 s21, s3  }
0x9d: {  	[timem:s7], [sflag:s22] =	dma.local [hbm:s5], s20  }
0x9e: {  	_ =	swait.ge [sflag:s22], s20  }
0x9f: {  	s4 =	ssub.s32 $0x0, s20;
	[sflag:s22] =	ssyncset.done $0x0  }
0xa0: {  	[sflag:s22] =	ssyncadd.s32 s4;
	_ =	sdelay $0x1  }
0xa1: {  	s23 =	simm.s32 $0x1B8B  }
0xa2: {  	_ =	swait.ge [sflag:s23], $0x1  }
0xa3: {  	[sflag:s23] =	ssyncset.done $0x0  }
0xa4: {  	s25 =	simm.s32 $0x1B8E;
	s24 =	sld [smem:$0x3FFE];
	[sflag:s23] =	ssyncadd.s32 $0xFFFFFFFF  }
0xa5: {  	s26 =	simm.s32 $execute0_lowered;
	[smem:$0x3FD2] =	sst s25  }
0xa6: {  	s5 =	sshll.u32 s26, $0x1;
	_ =	strace $0x80000046;
	[dreg:$0x1] =	wrdreg $0xFFFFFFFF  }
0xa7: {  	s28 =	simm.s32 $_size_execute0_lowered;
	s3 =	sadd.s32 s3, s5;
	[dreg:$0x0] =	wrdreg $0x0  }
0xa8: {  	s5 =	sshll.u32 s28, $0x1;
	[dreg:$0x2] =	wrdreg s3  }
0xa9: {  	[dreg:$0x3] =	wrdreg s5  }
0xaa: {  	[dreg:$0x4] =	wrdreg $0xC0  }
0xab: {  	_ =	task [dreg:s7], $0x5FFFF  }
0xac: {  	[dreg:$0x1] =	wrdreg $0xFFFFFFFF  }
0xad: {  	[dreg:$0x0] =	wrdreg $0x60  }
0xae: {  	[dreg:$0x2] =	wrdreg s24  }
0xaf: {  	[dreg:$0x3] =	wrdreg s2  }
0xb0: {  	[dreg:$0x4] =	wrdreg $0x9  }
0xb1: {  	_ =	task.clear_ibuf [dreg:s7], $0x5FFFF;
	_ =	strace $0x90000046  }
0xb2: {  	s29 =	simm.s32 $0x9;
	_ =	strace $0x80000048  }
0xb3: {  	_ =	swait.ge [sflag:s29], $0x1  }
0xb4: {  	[sflag:s29] =	ssyncadd.s32 $0xFFFFFFFF  }
0xb5: {  	_ =	strace $0x90000048  }
0xb6: {  	_ =	sfence  }
0xb7: {  	s30 =	sld [smem:$0x0];
	_ =	sdelay $0x2  }
0xb8: {  	s31 =	sshll.u32 s1, $0xD;
	s1 =	sshrl.u32 s1, $0x2  }
0xb9: {  	s3 =	sand.u32 $0x4000, s31;
	s1 =	sadd.s32 s1, s30  }
0xba: {  	s0 =	sor.u32 s3, s0;
	s1 =	sshll.u32 s1, $0x11  }
0xbb: {  	s0 =	sor.u32 s1, s0  }
0xbc: {  	s0 =	sadd.s32 $0x8F2B, s0  }
0xbd: {  	[sflag:s0] =	ssyncadd.remote.s32 $0x1  }
0xbe: {  	_ =	sfence.sel $0xFFFF  }
0xbf: {  	[dreg:$0x0] =	wrdreg $0xFFFFFFFF;
	(pc) =	sbr.abs _section_cstart, $3  }
0xc0: {  	[dreg:$0x1] =	wrdreg $0xFFFFFFFF  }
0xc1: {  	_ =	task.clear_ibuf [dreg:s7], $0x2FFFF;
	_ =	strace $0x9FFFFFFF  }
0xc2: {  	(tm) =	ssettm $0x7FFFFFFF  }
0xc3: {  	_ =	shalt  }
tec
execute0_lowered:
.L_overlay_start_1:
0x0: {  	(tag) =	ssettag $0x1  }
0x1: {  	s0 =	srdreg.scid  }
0x2: {  	s1 =	rddreg [dreg:$0x0];
	s9 =	stileid.u32  }
0x3: {  	s2 =	rddreg [dreg:$0x1];
	s3 =	simm.s32 $0x0;
	s11 =	simm.s32 $0x80  }
0x4: {  	s12 =	simm.s32 $0x1000;
	s13 =	simm.s32 $0x3;
	s14 =	simm.s32 $0x6400  }
0x5: {  	s15 =	simm.s32 $0x7400;
	s17 =	simm.s32 $0x8400;
	s19 =	simm.s32 $0x9400  }
0x6: {  	s21 =	simm.s32 $0xA400;
	s28 =	simm.s32 $0xD400;
	s29 =	simm.s32 $0x1  }
0x7: {  	s30 =	simm.s32 $0x20000;
	s31 =	simm.s32 $0x2;
	s0 =	sand.u32 $0x1, s0  }
0x8: {  	s4 =	sshll.u32 s9, $0x8;
	[smem:$0x7FF] =	sst s3;
	s9 =	sshll.u32 s9, $0xD  }
0x9: {  	s5 =	sshll.u32 s0, $0x7;
	_ =	strace $0x80000047;
	s7 =	ssub.s32 $0x2, s0  }
0xa: {  	s0 =	sshll.u32 s0, $0xC;
	s6 =	sor.u32 s5, s4;
	s8 =	sshrl.u32 s7, $0x1  }
0xb: {  	s0 =	sor.u32 s0, s9;
	s4 =	sshrl.u32 s6, $0x3;
	s23 =	ssub.s32 s7, s8  }
0xc: {  	s24 =	sshll.u32 s6, $0x2;
	s25 =	sor.u32 $0x180000, s0;
	s9 =	sor.u32 $0x100000, s0  }
0xd: {  	s22 =	sadd.s32 s4, s1;
	s4 =	sadd.s32 $0xF42E00, s1;
	s6 =	smax.u32 s23, $0x1  }
0xe: {  	s7 =	sadd.s32 s2, s24;
	s26 =	sshrl.u32 s25, $0x3;
	s23 =	simm.s32 $0xB400  }
0xf: {  	s25 =	simm.s32 $0xC400;
	s1 =	simm.s32 $0x0;
	s5 =	sadd.s32 $0xA00, s22  }
0x10: {  	s8 =	sadd.s32 $0x10000, s7;
	s20 =	sadd.s32 s26, s2;
	s26 =	simm.s32 $0x380  }
.LBB2_1:
0x11: {  	[tilespmem:s3], [sflag:$0x3] =	stream.strided.gather [hbm4b:s5+s11], $0x6400, s12, s11, $0x38;
	[tilespmem:$0xE400] =	vst v63  }
0x12: {  	_ =	swait.ge [sflag:s13], $0x6400  }
0x13: {  	[sflag:s13] =	ssyncset.done $0x0  }
0x14: {  	[sflag:s13] =	ssyncadd.s32 $0xFFFF9C00  }
0x15: {  	[tilespmem:s14], [sflag:$0x1] =	stream.indirect.gather [hbm4b:s4+s11], $0x20, s3, s11, $0xb8;
	[tilespmem:$0xE400] =	vst v63  }
0x16: {  	_ = 	snop  }
0x17: {  	[tilespmem:s15], [sflag:$0x1] =	stream.indirect.gather [hbm4b:s4+s11], $0x20, s11, s11, $0xb8;
	[tilespmem:$0xE400] =	vst v63  }
0x18: {  	s0 =	simm.s32 $0x100  }
0x19: {  	[tilespmem:s17], [sflag:$0x1] =	stream.indirect.gather [hbm4b:s4+s11], $0x20, s0, s11, $0xb8;
	[tilespmem:$0xE400] =	vst v63  }
0x1a: {  	s18 =	simm.s32 $0x180  }
0x1b: {  	[tilespmem:s19], [sflag:$0x1] =	stream.indirect.gather [hbm4b:s4+s11], $0x20, s18, s11, $0xb8;
	[tilespmem:$0xE400] =	vst v63  }
0x1c: {  	s22 =	simm.s32 $0x200  }
0x1d: {  	[tilespmem:s21], [sflag:$0x1] =	stream.indirect.gather [hbm4b:s4+s11], $0x20, s22, s11, $0xb8;
	[tilespmem:$0xE400] =	vst v63  }
0x1e: {  	s24 =	simm.s32 $0x280  }
0x1f: {  	[tilespmem:s23], [sflag:$0x1] =	stream.indirect.gather [hbm4b:s4+s11], $0x20, s24, s11, $0xb8;
	[tilespmem:$0xE400] =	vst v63  }
0x20: {  	s10 =	simm.s32 $0x300  }
0x21: {  	[tilespmem:s25], [sflag:$0x1] =	stream.indirect.gather [hbm4b:s4+s11], $0x20, s10, s11, $0xb8;
	[tilespmem:$0xE400] =	vst v63  }
0x22: {  	_ = 	snop  }
0x23: {  	[tilespmem:s28], [sflag:$0x1] =	stream.indirect.gather [hbm4b:s4+s11], $0x20, s26, s11, $0xb8;
	[tilespmem:$0xE400] =	vst v63  }
0x24: {  	_ =	swait.ge [sflag:s29], $0x1000  }
0x25: {  	[sflag:s29] =	ssyncset.done $0x0  }
0x26: {  	[sflag:s29] =	ssyncadd.s32 $0xFFFFF000  }
0x27: {  	_ =	swait.ge [sflag:s29], $0x1000  }
0x28: {  	[sflag:s29] =	ssyncset.done $0x0  }
0x29: {  	[sflag:s29] =	ssyncadd.s32 $0xFFFFF000  }
0x2a: {  	_ =	swait.ge [sflag:s29], $0x1000  }
0x2b: {  	[sflag:s29] =	ssyncset.done $0x0  }
0x2c: {  	[sflag:s29] =	ssyncadd.s32 $0xFFFFF000  }
0x2d: {  	_ =	swait.ge [sflag:s29], $0x1000  }
0x2e: {  	[sflag:s29] =	ssyncset.done $0x0  }
0x2f: {  	[sflag:s29] =	ssyncadd.s32 $0xFFFFF000  }
0x30: {  	[hbm4b:s7+s12] =	stream.strided.scatter [tilespmem:s14], [sflag:$0x2], $0x4000, s30, s12, $0x38;
	[tilespmem:$0xE400] =	vst v63  }
0x31: {  	_ =	swait.ge [sflag:s29], $0x1000  }
0x32: {  	[sflag:s29] =	ssyncset.done $0x0  }
0x33: {  	[sflag:s29] =	ssyncadd.s32 $0xFFFFF000  }
0x34: {  	_ =	swait.ge [sflag:s29], $0x1000  }
0x35: {  	[sflag:s29] =	ssyncset.done $0x0  }
0x36: {  	[sflag:s29] =	ssyncadd.s32 $0xFFFFF000  }
0x37: {  	_ =	swait.ge [sflag:s29], $0x1000  }
0x38: {  	[sflag:s29] =	ssyncset.done $0x0  }
0x39: {  	[sflag:s29] =	ssyncadd.s32 $0xFFFFF000  }
0x3a: {  	_ =	swait.ge [sflag:s29], $0x1000  }
0x3b: {  	[sflag:s29] =	ssyncset.done $0x0  }
0x3c: {  	[sflag:s29] =	ssyncadd.s32 $0xFFFFF000  }
0x3d: {  	[hbm4b:s8+s12] =	stream.strided.scatter [tilespmem:s21], [sflag:$0x2], $0x4000, s30, s12, $0x38;
	[tilespmem:$0xE400] =	vst v63  }
0x3e: {  	_ =	swait.ge [sflag:s31], $0x4000  }
0x3f: {  	[sflag:s31] =	ssyncset.done $0x0  }
0x40: {  	s16 =	simm.s32 $0x400;
	[sflag:s31] =	ssyncadd.s32 $0xFFFFC000  }
0x41: {  	[tilespmem:s14], [sflag:$0x1] =	stream.indirect.gather [hbm4b:s4+s11], $0x20, s16, s11, $0xb8;
	[tilespmem:$0xE400] =	vst v63  }
0x42: {  	s18 =	simm.s32 $0x480  }
0x43: {  	[tilespmem:s15], [sflag:$0x1] =	stream.indirect.gather [hbm4b:s4+s11], $0x20, s18, s11, $0xb8;
	[tilespmem:$0xE400] =	vst v63  }
0x44: {  	s22 =	simm.s32 $0x500  }
0x45: {  	[tilespmem:s17], [sflag:$0x1] =	stream.indirect.gather [hbm4b:s4+s11], $0x20, s22, s11, $0xb8;
	[tilespmem:$0xE400] =	vst v63  }
0x46: {  	s24 =	simm.s32 $0x580  }
0x47: {  	[tilespmem:s19], [sflag:$0x1] =	stream.indirect.gather [hbm4b:s4+s11], $0x20, s24, s11, $0xb8;
	[tilespmem:$0xE400] =	vst v63  }
0x48: {  	_ =	swait.ge [sflag:s31], $0x4000  }
0x49: {  	[sflag:s31] =	ssyncset.done $0x0  }
0x4a: {  	s10 =	simm.s32 $0x600;
	[sflag:s31] =	ssyncadd.s32 $0xFFFFC000  }
0x4b: {  	[tilespmem:s21], [sflag:$0x1] =	stream.indirect.gather [hbm4b:s4+s11], $0x20, s10, s11, $0xb8;
	[tilespmem:$0xE400] =	vst v63  }
0x4c: {  	s16 =	simm.s32 $0x680  }
0x4d: {  	[tilespmem:s23], [sflag:$0x1] =	stream.indirect.gather [hbm4b:s4+s11], $0x20, s16, s11, $0xb8;
	[tilespmem:$0xE400] =	vst v63  }
0x4e: {  	s18 =	simm.s32 $0x700  }
0x4f: {  	[tilespmem:s25], [sflag:$0x1] =	stream.indirect.gather [hbm4b:s4+s11], $0x20, s18, s11, $0xb8;
	[tilespmem:$0xE400] =	vst v63  }
0x50: {  	s22 =	simm.s32 $0x780  }
0x51: {  	[tilespmem:s28], [sflag:$0x1] =	stream.indirect.gather [hbm4b:s4+s11], $0x20, s22, s11, $0xb8;
	[tilespmem:$0xE400] =	vst v63  }
0x52: {  	_ =	swait.ge [sflag:s29], $0x1000  }
0x53: {  	[sflag:s29] =	ssyncset.done $0x0  }
0x54: {  	[sflag:s29] =	ssyncadd.s32 $0xFFFFF000  }
0x55: {  	_ =	swait.ge [sflag:s29], $0x1000  }
0x56: {  	[sflag:s29] =	ssyncset.done $0x0  }
0x57: {  	[sflag:s29] =	ssyncadd.s32 $0xFFFFF000  }
0x58: {  	_ =	swait.ge [sflag:s29], $0x1000  }
0x59: {  	[sflag:s29] =	ssyncset.done $0x0  }
0x5a: {  	[sflag:s29] =	ssyncadd.s32 $0xFFFFF000  }
0x5b: {  	_ =	swait.ge [sflag:s29], $0x1000  }
0x5c: {  	s24 =	sshrl.u32 s9, $0x3;
	[sflag:s29] =	ssyncset.done $0x0  }
0x5d: {  	s0 =	sadd.s32 s2, s24;
	[sflag:s29] =	ssyncadd.s32 $0xFFFFF000  }
0x5e: {  	[hbm4b:s0+s12] =	stream.strided.scatter [tilespmem:s14], [sflag:$0x2], $0x4000, s30, s12, $0x38;
	[tilespmem:$0xE400] =	vst v63  }
0x5f: {  	_ =	swait.ge [sflag:s29], $0x1000  }
0x60: {  	[sflag:s29] =	ssyncset.done $0x0  }
0x61: {  	[sflag:s29] =	ssyncadd.s32 $0xFFFFF000  }
0x62: {  	_ =	swait.ge [sflag:s29], $0x1000  }
0x63: {  	[sflag:s29] =	ssyncset.done $0x0  }
0x64: {  	[sflag:s29] =	ssyncadd.s32 $0xFFFFF000  }
0x65: {  	_ =	swait.ge [sflag:s29], $0x1000  }
0x66: {  	[sflag:s29] =	ssyncset.done $0x0  }
0x67: {  	[sflag:s29] =	ssyncadd.s32 $0xFFFFF000  }
0x68: {  	_ =	swait.ge [sflag:s29], $0x1000  }
0x69: {  	s10 =	smov.u32 s20;
	s16 =	sadd.s32 $0x100000, s9;
	[sflag:s29] =	ssyncset.done $0x0  }
0x6a: {  	s18 =	sadd.s32 $0x20000, s20;
	s0 =	simm.s32 $0x1000;
	[sflag:s29] =	ssyncadd.s32 $0xFFFFF000  }
.LBB2_2:
0x6b: {  	[hbm4b:s10+s12] =	stream.strided.scatter [tilespmem:s21], [sflag:$0x2], $0x4000, s30, s12, $0x38;
	[tilespmem:$0xE400] =	vst v63  }
0x6c: {  	s22 =	smov.u32 s0;
	s10 =	smov.u32 s18  }
0x6d: {  	p0 =	sne.s32 s0, $0x17000;
	s0 =	sadd.s32 $0x1000, s0;
	_ =	swait.ge [sflag:s31], $0x4000  }
0x6e: {  	s22 =	sshra.s32 s22, $0x2;
	[sflag:s31] =	ssyncset.done $0x0  }
0x6f: {  	s24 =	sadd.s32 $0x400, s22;
	[sflag:s31] =	ssyncadd.s32 $0xFFFFC000  }
0x70: {  	[tilespmem:s14], [sflag:$0x1] =	stream.indirect.gather [hbm4b:s4+s11], $0x20, s24, s11, $0xb8;
	[tilespmem:$0xE400] =	vst v63  }
0x71: {  	s24 =	sadd.s32 $0x480, s22  }
0x72: {  	[tilespmem:s15], [sflag:$0x1] =	stream.indirect.gather [hbm4b:s4+s11], $0x20, s24, s11, $0xb8;
	[tilespmem:$0xE400] =	vst v63  }
0x73: {  	s24 =	sadd.s32 $0x500, s22  }
0x74: {  	[tilespmem:s17], [sflag:$0x1] =	stream.indirect.gather [hbm4b:s4+s11], $0x20, s24, s11, $0xb8;
	[tilespmem:$0xE400] =	vst v63  }
0x75: {  	s24 =	sadd.s32 $0x580, s22  }
0x76: {  	[tilespmem:s19], [sflag:$0x1] =	stream.indirect.gather [hbm4b:s4+s11], $0x20, s24, s11, $0xb8;
	[tilespmem:$0xE400] =	vst v63  }
0x77: {  	_ =	swait.ge [sflag:s31], $0x4000  }
0x78: {  	[sflag:s31] =	ssyncset.done $0x0  }
0x79: {  	s24 =	sadd.s32 $0x600, s22;
	[sflag:s31] =	ssyncadd.s32 $0xFFFFC000  }
0x7a: {  	[tilespmem:s21], [sflag:$0x1] =	stream.indirect.gather [hbm4b:s4+s11], $0x20, s24, s11, $0xb8;
	[tilespmem:$0xE400] =	vst v63  }
0x7b: {  	s24 =	sadd.s32 $0x680, s22  }
0x7c: {  	[tilespmem:s23], [sflag:$0x1] =	stream.indirect.gather [hbm4b:s4+s11], $0x20, s24, s11, $0xb8;
	[tilespmem:$0xE400] =	vst v63  }
0x7d: {  	s24 =	sadd.s32 $0x700, s22  }
0x7e: {  	[tilespmem:s25], [sflag:$0x1] =	stream.indirect.gather [hbm4b:s4+s11], $0x20, s24, s11, $0xb8;
	[tilespmem:$0xE400] =	vst v63  }
0x7f: {  	s22 =	sadd.s32 $0x780, s22  }
0x80: {  	[tilespmem:s28], [sflag:$0x1] =	stream.indirect.gather [hbm4b:s4+s11], $0x20, s22, s11, $0xb8;
	[tilespmem:$0xE400] =	vst v63  }
0x81: {  	_ =	swait.ge [sflag:s29], $0x1000  }
0x82: {  	[sflag:s29] =	ssyncset.done $0x0  }
0x83: {  	[sflag:s29] =	ssyncadd.s32 $0xFFFFF000  }
0x84: {  	_ =	swait.ge [sflag:s29], $0x1000  }
0x85: {  	[sflag:s29] =	ssyncset.done $0x0  }
0x86: {  	[sflag:s29] =	ssyncadd.s32 $0xFFFFF000  }
0x87: {  	_ =	swait.ge [sflag:s29], $0x1000  }
0x88: {  	[sflag:s29] =	ssyncset.done $0x0  }
0x89: {  	[sflag:s29] =	ssyncadd.s32 $0xFFFFF000  }
0x8a: {  	_ =	swait.ge [sflag:s29], $0x1000  }
0x8b: {  	s22 =	sshrl.u32 s16, $0x3;
	[sflag:s29] =	ssyncset.done $0x0  }
0x8c: {  	s22 =	sadd.s32 s2, s22;
	[sflag:s29] =	ssyncadd.s32 $0xFFFFF000  }
0x8d: {  	[hbm4b:s22+s12] =	stream.strided.scatter [tilespmem:s14], [sflag:$0x2], $0x4000, s30, s12, $0x38;
	[tilespmem:$0xE400] =	vst v63  }
0x8e: {  	_ =	swait.ge [sflag:s29], $0x1000  }
0x8f: {  	[sflag:s29] =	ssyncset.done $0x0  }
0x90: {  	[sflag:s29] =	ssyncadd.s32 $0xFFFFF000  }
0x91: {  	_ =	swait.ge [sflag:s29], $0x1000  }
0x92: {  	[sflag:s29] =	ssyncset.done $0x0  }
0x93: {  	[sflag:s29] =	ssyncadd.s32 $0xFFFFF000  }
0x94: {  	_ =	swait.ge [sflag:s29], $0x1000  }
.Ltmp0:
0x95: {  	[sflag:s29] =	ssyncset.done $0x0;
	(pc) =	sbr.rel @p0 .LBB2_2-.Ltmp0, $4  }
0x96: {  	[sflag:s29] =	ssyncadd.s32 $0xFFFFF000  }
0x97: {  	_ =	swait.ge [sflag:s29], $0x1000  }
0x98: {  	[sflag:s29] =	ssyncset.done $0x0  }
0x99: {  	s18 =	sadd.s32 $0x20000, s18;
	s16 =	sadd.s32 $0x100000, s16;
	[sflag:s29] =	ssyncadd.s32 $0xFFFFF000  }
0x9a: {  	[hbm4b:s10+s12] =	stream.strided.scatter [tilespmem:s21], [sflag:$0x2], $0x4000, s30, s12, $0x38;
	[tilespmem:$0xE400] =	vst v63  }
0x9b: {  	s1 =	sadd.s32 $0x1, s1  }
0x9c: {  	_ =	swait.ge [sflag:s31], $0x4000;
	p0 =	sne.s32 s1, s6  }
.Ltmp1:
0x9d: {  	[sflag:s31] =	ssyncset.done $0x0;
	(pc) =	sbr.rel @p0 .LBB2_1-.Ltmp1, $4  }
0x9e: {  	[sflag:s31] =	ssyncadd.s32 $0xFFFFC000  }
0x9f: {  	_ =	swait.ge [sflag:s31], $0x4000  }
0xa0: {  	[sflag:s31] =	ssyncset.done $0x0  }
0xa1: {  	[sflag:s31] =	ssyncadd.s32 $0xFFFFC000  }
0xa2: {  	_ =	sfence.sel $0x180000  }
0xa3: {  	[bflag:$0x0] =	sbarrier.arrive $0xFFFF  }
0xa4: {  	_ =	strace $0x90000047  }
0xa5: {  	s0 =	stileid.u32;
	[bflag:$0x2] =	sbarrier.arrive $0xFFFF  }
0xa6: {  	p0 =	sne.s32 s0, $0x0;
	s0 =	rddreg [dreg:$0x2]  }
0xa7: {  	s0 =	sadd.s32 @!p0 $0x100000, s0  }
0xa8: {  	[sflag:s0] =	ssyncadd.tile.s32 @!p0 $0x1;
	_ =	shalt  }
.Lfunc_end2:
_tile_overlayer_lowered:
.L_overlay_start_2:
0xa9: {  	(tag) =	ssettag $0x2  }
0xaa: {  	s0 =	rddreg [dreg:$0x0];
	s2 =	stileid.u32  }
0xab: {  	s1 =	rddreg [dreg:$0x1];
	p0 =	sne.s32 s2, $0x0  }
0xac: {  	s3 =	rddreg [dreg:$0x2];
	[bflag:$0x3] =	sbarrier.arrive $0xFFFF;
	s2 =	simm.s32 @!p0 $0x1C03  }
0xad: {  	[timem:s3], [sflag:s2] =	dma.local @!p0 [hbm:s0], s1  }
0xae: {  	s0 =	simm.s32 @!p0 $0x3  }
0xaf: {  	_ =	swait.ge @!p0 [sflag:s0], s1  }
0xb0: {  	s1 =	ssub.s32 @!p0 $0x0, s1;
	[sflag:s0] =	ssyncset.done @!p0 $0x0  }
0xb1: {  	[sflag:s0] =	ssyncadd.s32 @!p0 s1  }
0xb2: {  	[bflag:$0x3] =	sbarrier.arrive $0xFFFF  }
0xb3: {  	_ =	shalt  }

// kernel: sparse-core-data-format-call.cloned.1.call-start
scs
called_computation_lowered:
.L_overlay_start_0:
0x0: {  	s2 =	sld [smem:$0x3FD9]  }
0x1: {  	s3 =	sld [smem:$0x3FFE];
	_ =	sdelay $0x1  }
0x2: {  	s1 =	srdreg.scid  }
0x3: {  	s0 =	sand.u32 $0x1, s1  }
0x4: {  	s18 =	sshll.u32 s0, $0xA;
	s2 =	sadd.s32 s3, s2  }
0x5: {  	s2 =	sadd.s32 s2, s18  }
0x6: {  	[smem:$0x3FC6] =	sst s2  }
0x7: {  	_ = 	snop  }
0x8: {  	s2 =	sld [smem:$0x3FD0];
	(tm) =	ssettm $0x1  }
0x9: {  	s19 =	sld [smem:$0x3FFB];
	_ =	sdelay $0x3  }
0xa: {  	_ =	strace s19  }
0xb: {  	s3 =	sld [smem:$0x3FFC];
	_ =	sdelay $0x3  }
0xc: {  	_ =	strace s3  }
0xd: {  	s3 =	sld [smem:$0x3FFD];
	_ =	sdelay $0x3  }
0xe: {  	_ =	strace s3  }
0xf: {  	_ =	strace $0x8FFFFFFF  }
0x10: {  	s20 =	sld [smem:$0x3FDB];
	_ =	sdelay $0x1  }
0x11: {  	s4 =	simm.s32 $_scs_section_size  }
0x12: {  	s5 =	simm.s32 $_size__tile_overlayer_lowered;
	s6 =	simm.s32 $_tile_overlayer_lowered  }
0x13: {  	s23 =	simm.s32 $0x1BFF;
	s22 =	sshll.u32 s6, $0x1;
	s3 =	sadd.s32 s4, s20  }
0x14: {  	s7 =	simm.s32 $0x0;
	s21 =	sshll.u32 s5, $0x1;
	s5 =	sadd.s32 s22, s3  }
0x15: {  	[timem:s7], [sflag:s23] =	dma.local [hbm:s5], s21  }
0x16: {  	_ =	swait.ge [sflag:s23], s21  }
0x17: {  	s4 =	ssub.s32 $0x0, s21;
	[sflag:s23] =	ssyncset.done $0x0  }
0x18: {  	[sflag:s23] =	ssyncadd.s32 s4;
	_ =	sdelay $0x1  }
0x19: {  	s24 =	simm.s32 $0x1B8B  }
0x1a: {  	_ =	swait.ge [sflag:s24], $0x1  }
0x1b: {  	[sflag:s24] =	ssyncset.done $0x0  }
0x1c: {  	s26 =	simm.s32 $0x1B8E;
	s25 =	sld [smem:$0x3FFE];
	[sflag:s24] =	ssyncadd.s32 $0xFFFFFFFF  }
0x1d: {  	s27 =	simm.s32 $execute0_lowered;
	[smem:$0x3FD2] =	sst s26  }
0x1e: {  	s5 =	sshll.u32 s27, $0x1;
	_ =	strace $0x80000049;
	[dreg:$0x1] =	wrdreg $0xFFFFFFFF  }
0x1f: {  	s28 =	simm.s32 $_size_execute0_lowered;
	s3 =	sadd.s32 s3, s5;
	[dreg:$0x0] =	wrdreg $0x0  }
0x20: {  	s5 =	sshll.u32 s28, $0x1;
	[dreg:$0x2] =	wrdreg s3  }
0x21: {  	[dreg:$0x3] =	wrdreg s5  }
0x22: {  	[dreg:$0x4] =	wrdreg $0xC0  }
0x23: {  	_ =	task [dreg:s7], $0x5FFFF  }
0x24: {  	[dreg:$0x1] =	wrdreg $0xFFFFFFFF  }
0x25: {  	[dreg:$0x0] =	wrdreg $0x60  }
0x26: {  	[dreg:$0x2] =	wrdreg s25  }
0x27: {  	[dreg:$0x3] =	wrdreg s2  }
0x28: {  	[dreg:$0x4] =	wrdreg $0x9  }
0x29: {  	_ =	task.clear_ibuf [dreg:s7], $0x5FFFF;
	_ =	strace $0x90000049  }
0x2a: {  	s29 =	simm.s32 $0x9;
	_ =	strace $0x8000004B  }
0x2b: {  	_ =	swait.ge [sflag:s29], $0x1  }
0x2c: {  	[sflag:s29] =	ssyncadd.s32 $0xFFFFFFFF  }
0x2d: {  	_ =	strace $0x9000004B  }
0x2e: {  	_ =	sfence  }
0x2f: {  	s30 =	sld [smem:$0x0];
	_ =	sdelay $0x2  }
0x30: {  	s31 =	sshll.u32 s1, $0xD;
	s1 =	sshrl.u32 s1, $0x2  }
0x31: {  	s3 =	sand.u32 $0x4000, s31;
	s1 =	sadd.s32 s1, s30  }
0x32: {  	s0 =	sor.u32 s3, s0;
	s1 =	sshll.u32 s1, $0x11  }
0x33: {  	s0 =	sor.u32 s1, s0  }
0x34: {  	s0 =	sadd.s32 $0x8F2B, s0  }
0x35: {  	[sflag:s0] =	ssyncadd.remote.s32 $0x1  }
0x36: {  	_ =	sfence.sel $0xFFFF  }
0x37: {  	[dreg:$0x0] =	wrdreg $0xFFFFFFFF;
	(pc) =	sbr.abs _section_cstart, $3  }
0x38: {  	[dreg:$0x1] =	wrdreg $0xFFFFFFFF  }
0x39: {  	_ =	task.clear_ibuf [dreg:s7], $0x2FFFF;
	_ =	strace $0x9FFFFFFF  }
0x3a: {  	(tm) =	ssettm $0x7FFFFFFF  }
0x3b: {  	_ =	shalt  }
tec
execute0_lowered:
.L_overlay_start_1:
0x0: {  	(tag) =	ssettag $0x1  }
0x1: {  	s0 =	srdreg.scid;
	s5 =	rddreg [dreg:$0x0]  }
0x2: {  	s2 =	rddreg [dreg:$0x1];
	s1 =	sshll.u32 s0, $0x4  }
0x3: {  	s9 =	simm.s32 $0x2;
	s0 =	stileid.u32;
	s1 =	sand.u32 $0x10, s1  }
0x4: {  	s15 =	simm.s32 $0x0;
	s11 =	simm.s32 $0x400;
	s4 =	sor.u32 s0, s1  }
0x5: {  	s12 =	simm.s32 $0x8000;
	s16 =	simm.s32 $0x0;
	s3 =	sshll.u32 s4, $0x7  }
0x6: {  	s13 =	simm.s32 $0x0;
	s1 =	rddreg [dreg:$0x2];
	s6 =	ssub.s32 $0x1000, s3  }
0x7: {  	_ =	strace $0x8000004A;
	s8 =	sshll.u32 s4, $0xB;
	s7 =	sand.u32 $0xF80, s6  }
0x8: {  	s4 =	simm.s32 $0x1;
	p0 =	sne.s32 s7, $0x0;
	s7 =	simm.s32 $0x1  }
.Ltmp0:
0x9: {  	s6 =	sshrl.u32 s6, $0xC;
	s7 =	simm.s32 @!p0 $0x0;
	(pc) =	sbr.rel .LBB1_1-.Ltmp0, $4  }
0xa: {  	s14 =	simm.s32 $0x0;
	[sflag:s4] =	ssyncpa.u1 $0x0;
	s6 =	sadd.s32 s7, s6  }
0xb: {  	s10 =	sadd.s32 s8, s5;
	[sflag:s9] =	ssyncpa.u1 $0x0;
	s5 =	smul.u32 $0x32, s6  }
0xc: {  	s8 =	sadd.s32 $0x20A00, s10;
	s9 =	sadd.s32 $0x30A00, s10;
	p0 =	por $0x0, $0x0  }
0xd: {  	s7 =	sadd.s32 $0x10A00, s10;
	s6 =	sadd.s32 $0xA00, s10;
	s10 =	sor.u32 $0x1, s5  }
.LBB1_7:
0xe: {  	s17 =	sadd.s32 $0x4, s13  }
0xf: {  	p2 =	sgt.s32 s17, $0xC7  }
0x10: {  	s17 =	simm.s32 @p2 $0x0;
	p2 =	sne.s32 s14, s10  }
.Ltmp1:
0x11: {  	p1 =	slt.u32 s14, $0x2;
	(pc) =	sbr.rel @!p2 .LBB1_8-.Ltmp1, $4  }
0x12: {  	s15 =	simm.s32 @!p1 $0x2  }
0x13: {  	s18 =	sadd.s32 $0x1, s14;
	s16 =	smov.u32 s13;
	_ =	swait.ge @!p1 [sflag:s15], $0x4000  }
0x14: {  	p0 =	por !p0, !p0;
	s14 =	smov.u32 s18;
	[sflag:s15] =	ssyncset.done @!p1 $0x0  }
0x15: {  	s13 =	smov.u32 s17;
	[sflag:s15] =	ssyncadd.s32 @!p1 $0xFFFFC000;
	s15 =	smov.u32 s3  }
.LBB1_1:
0x16: {  	p1 =	sge.u32 s14, s5  }
0x17: {  	s17 =	sxor.u32 @!p1 $0xFFFFFFFF, s14  }
0x18: {  	s18 =	sshll.u32 @!p1 s13, $0x10;
	s20 =	simm.s32 @!p1 $0x20;
	s17 =	sshll.u32 @!p1 s17, $0xE  }
0x19: {  	s21 =	simm.s32 @!p1 $0x80;
	s19 =	sadd.s32 @!p1 s18, s6;
	s17 =	sand.u32 @!p1 $0x4000, s17  }
0x1a: {  	[tilespmem:s17], [sflag:$0x1] =	stream.strided.gather @!p1 [hbm4b:s19+s20], $0x1000, s21, s20, $0x38;
	[tilespmem:$0x10100] =	vst v63  }
0x1b: {  	s19 =	sadd.s32 @!p1 s18, s7;
	s22 =	sor.u32 @!p1 $0x1000, s17  }
0x1c: {  	[tilespmem:s22], [sflag:$0x1] =	stream.strided.gather @!p1 [hbm4b:s19+s20], $0x1000, s21, s20, $0x38;
	[tilespmem:$0x10100] =	vst v63  }
0x1d: {  	s19 =	sadd.s32 @!p1 s18, s8;
	s22 =	sor.u32 @!p1 $0x2000, s17  }
0x1e: {  	[tilespmem:s22], [sflag:$0x1] =	stream.strided.gather @!p1 [hbm4b:s19+s20], $0x1000, s21, s20, $0x38;
	[tilespmem:$0x10100] =	vst v63  }
0x1f: {  	s31 =	sadd.s32 $0xFFFFFFFF, s14;
	s18 =	sadd.s32 @!p1 s18, s9;
	s17 =	sor.u32 @!p1 $0x3000, s17  }
0x20: {  	[tilespmem:s17], [sflag:$0x1] =	stream.strided.gather @!p1 [hbm4b:s18+s20], $0x1000, s21, s20, $0x38;
	[tilespmem:$0x10100] =	vst v63  }
0x21: {  	p1 =	sge.u32 s31, s5  }
.Ltmp2:
0x22: {  	_ = 	snop;
	(pc) =	sbr.rel @p1 .LBB1_7-.Ltmp2, $1  }
0x23: {  	_ =	sdelay $0x3  }
0x24: {  	s18 =	simm.s32 $0x1;
	s19 =	sand.u32 $0x1, s14  }
0x25: {  	_ =	swait.ge [sflag:s4], $0x4000;
	s18 =	simm.s32 @!p0 $0x0;
	s20 =	smul.u32 $0x10200, s19  }
0x26: {  	[sflag:s4] =	ssyncset.done $0x0;
	s17 =	smul.u32 $0x10200, s18  }
0x27: {  	s18 =	sshll.u32 s18, $0xE;
	[sflag:s4] =	ssyncadd.s32 $0xFFFFC000  }
0x28: {  	s19 =	sor.u32 $0x10, s18;
	s31 =	sshrl.u32 s20, $0x2;
	s17 =	sshrl.u32 s17, $0x2  }
0x29: {  	s20 =	simm.s32 $0x0;
	s18 =	sor.u32 $0x8000, s31;
	s17 =	sor.u32 $0x8000, s17  }
.LBB1_3:
0x2a: {  	v1 =	vld [tilespmem:s19+$0x0]  }
0x2b: {  	v0 =	vld [tilespmem:s19+$0xFFFFFFF0];
	_ =	sdelay $0x2  }
0x2c: {  	s23 =	sadd.s32 $0x0, s17  }
0x2d: {  	s21 =	simm.s32 $0x4;
	s22 =	sadd.s32 $0x20, s19;
	[tilespmem:s23+$0x810 ss:$0x81] =	vst.msk $0xffff, v1  }
.LBB1_4:
0x2e: {  	v1 =	vld [tilespmem:s22+$0x0];
	p1 =	sne.s32 s21, $0x1FC;
	[tilespmem:s23+$0x0 ss:$0x81] =	vst.msk $0xffff, v0;
	s23 =	smov.u32 s21;
	s21 =	sadd.s32 $0x4, s21  }
.Ltmp3:
0x2f: {  	v0 =	vld [tilespmem:s22+$0xFFFFFFF0];
	(pc) =	sbr.rel @p1 .LBB1_4-.Ltmp3, $4  }
0x30: {  	_ = 	snop  }
0x31: {  	s23 =	sshra.s32 s23, $0x2  }
0x32: {  	s23 =	sadd.s32 s23, s17  }
0x33: {  	s22 =	sadd.s32 $0x20, s22;
	[tilespmem:s23+$0x810 ss:$0x81] =	vst.msk $0xffff, v1  }
0x34: {  	s20 =	sadd.s32 $0x1, s20  }
0x35: {  	p1 =	sne.s32 s20, $0x4  }
.Ltmp4:
0x36: {  	_ = 	snop;
	(pc) =	sbr.rel @p1 .LBB1_3-.Ltmp4, $2  }
0x37: {  	_ =	sdelay $0x2  }
0x38: {  	[tilespmem:s23+$0x0 ss:$0x81] =	vst.msk $0xffff, v0;
	s17 =	sadd.s32 $0x1020, s17;
	s19 =	sadd.s32 $0x1000, s19  }
.Ltmp5:
0x39: {  	(pc) =	sbr.rel .LBB1_7-.Ltmp5, $4  }
0x3a: {  	s16 =	sshll.u32 s16, $0xE  }
0x3b: {  	s16 =	sadd.s32 s2, s16  }
0x3c: {  	s15 =	sadd.s32 s15, s16  }
0x3d: {  	[hbm4b:s15+s11] =	stream.strided.scatter [tilespmem:s18], [sflag:$0x2], $0x4000, s12, s11, $0x20;
	[tilespmem:$0x10100] =	vst v63  }
.LBB1_8:
0x3e: {  	_ =	sfence.sel $0x180000  }
0x3f: {  	s2 =	simm.s32 $0x1;
	[bflag:$0x0] =	sbarrier.arrive $0xFFFF  }
0x40: {  	s31 =	simm.s32 $0x2;
	[sflag:s2] =	ssyncpa.u1 $0x1  }
0x41: {  	[sflag:s31] =	ssyncpa.u1 $0x1  }
0x42: {  	p0 =	sne.s32 s0, $0x0;
	_ =	strace $0x9000004A  }
0x43: {  	s0 =	sadd.s32 @!p0 $0x100000, s1;
	[bflag:$0x2] =	sbarrier.arrive $0xFFFF  }
0x44: {  	[sflag:s0] =	ssyncadd.tile.s32 @!p0 $0x1;
	_ =	shalt  }
.Lfunc_end1:
_tile_overlayer_lowered:
.L_overlay_start_2:
0x45: {  	(tag) =	ssettag $0x2  }
0x46: {  	s0 =	rddreg [dreg:$0x0];
	s2 =	stileid.u32  }
0x47: {  	s1 =	rddreg [dreg:$0x1];
	p0 =	sne.s32 s2, $0x0  }
0x48: {  	s3 =	rddreg [dreg:$0x2];
	[bflag:$0x3] =	sbarrier.arrive $0xFFFF;
	s2 =	simm.s32 @!p0 $0x1C01  }
0x49: {  	[timem:s3], [sflag:s2] =	dma.local @!p0 [hbm:s0], s1  }
0x4a: {  	s0 =	simm.s32 @!p0 $0x1  }
0x4b: {  	_ =	swait.ge @!p0 [sflag:s0], s1  }
0x4c: {  	s1 =	ssub.s32 @!p0 $0x0, s1;
	[sflag:s0] =	ssyncset.done @!p0 $0x0  }
0x4d: {  	[sflag:s0] =	ssyncadd.s32 @!p0 s1  }
0x4e: {  	[bflag:$0x3] =	sbarrier.arrive $0xFFFF  }
0x4f: {  	_ =	shalt  }

</sc_bundles>
